<compile_context>
chip_gen: v7x
topology: tpu7x:2x2x1
jax: 0.10.2.dev20260603
libtpu: 0.0.44.dev20260713+nightly
codegen_flags: <defaults>
</compile_context>

<pallas_src>
import functools

import jax
import jax.numpy as jnp
import numpy as np
from jax import lax
from jax.experimental import pallas as pl
from jax.experimental.pallas import tpu as pltpu
from jax.experimental.pallas import tpu_sc as plsc

_N = 10000
_E = 320000
_D = 128

_NC = 2
_NS = 16
_NW = _NC * _NS
_EPW = _E // _NW
_CHUNK = 640
_NPAD = _NS * _CHUNK
_PAD0 = _N - (_NS - 1) * _CHUNK

_ROWS = 2560

_PAYLOAD = np.concatenate([
    np.ones(_EPW, np.float32),
    np.zeros(_CHUNK, np.float32),
    np.concatenate([np.zeros(_PAD0, np.float32),
                    np.ones(_CHUNK - _PAD0, np.float32)]),
])
_GRID = _NPAD // _ROWS
_TAIL = _N - (_GRID - 1) * _ROWS


def _sc_count_body(idx_hbm, pay_hbm, out_hbm, idx_v, pay_v, shared,
                   sem_p, sem_i):
    cid = lax.axis_index("c")
    sid = lax.axis_index("s")
    wid = sid * _NC + cid

    cp_p = pltpu.async_copy(pay_hbm, pay_v, sem_p)
    cp_i = pltpu.async_copy(idx_hbm.at[pl.ds(wid * _EPW, _EPW)], idx_v, sem_i)
    cp_p.wait()
    init_off = jnp.where(sid == _NS - 1, _EPW + _CHUNK, _EPW)
    pltpu.sync_copy(pay_v.at[pl.ds(init_off, _CHUNK)],
                    shared.at[pl.ds(sid * _CHUNK, _CHUNK)])
    cp_i.wait()
    plsc.subcore_barrier()
    pltpu.sync_copy(pay_v.at[pl.ds(0, _EPW)], shared.at[idx_v], add=True)
    plsc.subcore_barrier()
    pltpu.sync_copy(
        shared.at[pl.ds(sid * _CHUNK, _CHUNK)],
        out_hbm.at[pl.ds(cid * _NPAD + sid * _CHUNK, _CHUNK)],
    )


@functools.cache
def _sc_count():
    return pl.kernel(
        _sc_count_body,
        out_type=jax.ShapeDtypeStruct((_NC * _NPAD,), jnp.float32),
        mesh=plsc.VectorSubcoreMesh(core_axis_name="c", subcore_axis_name="s",
                                    num_cores=_NC, num_subcores=_NS),
        scratch_types=[
            pltpu.VMEM((_EPW,), jnp.int32),
            pltpu.VMEM((_EPW + 2 * _CHUNK,), jnp.float32),
            pltpu.VMEM_SHARED((_NPAD,), jnp.float32),
            pltpu.SemaphoreType.DMA,
            pltpu.SemaphoreType.DMA,
        ],
    )


def _layernorm(x, w, b):
    m = jnp.mean(x, axis=-1, keepdims=True)
    var = jnp.mean((x - m) * (x - m), axis=-1, keepdims=True)
    return (x - m) * lax.rsqrt(var + 1e-5) * w + b


def _dot_nt(x, w):
    return lax.dot_general(x, w, (((1,), (1,)), ((), ())),
                           preferred_element_type=jnp.float32)


def _dense_pipeline(xv, ind, wv, bv, wo, bo, ln1w, ln1b, w1, b1, w2, b2,
                    ln2w, ln2b):
    vl = _dot_nt(xv, wv) + bv
    if ind is not None:
        vl = vl * ind
    v2 = _dot_nt(vl, wo) + bo
    x = _layernorm(xv + v2, ln1w, ln1b)
    h = jnp.maximum(_dot_nt(x, w1) + b1, 0.0)
    v2 = _dot_nt(h, w2) + b2
    return _layernorm(x + v2, ln2w, ln2b)


def _tc_main_body(v_ref, wv_ref, bv_ref, wo_ref, bo_ref, ln1w_ref, ln1b_ref,
                  w1_ref, b1_ref, w2_ref, b2_ref, ln2w_ref, ln2b_ref,
                  out_ref):
    out_ref[:] = _dense_pipeline(
        v_ref[:], None, wv_ref[:], bv_ref[:], wo_ref[:], bo_ref[:],
        ln1w_ref[:], ln1b_ref[:], w1_ref[:], b1_ref[:], w2_ref[:], b2_ref[:],
        ln2w_ref[:], ln2b_ref[:])


def _row_block(i):
    return (i, 0)


def _pinned(i):
    return (0, 0)


_W_SPECS = [
    pl.BlockSpec((_D, _D), _pinned),
    pl.BlockSpec((1, _D), _pinned),
    pl.BlockSpec((_D, _D), _pinned),
    pl.BlockSpec((1, _D), _pinned),
    pl.BlockSpec((1, _D), _pinned),
    pl.BlockSpec((1, _D), _pinned),
    pl.BlockSpec((_D, _D), _pinned),
    pl.BlockSpec((1, _D), _pinned),
    pl.BlockSpec((_D, _D), _pinned),
    pl.BlockSpec((1, _D), _pinned),
    pl.BlockSpec((1, _D), _pinned),
    pl.BlockSpec((1, _D), _pinned),
]

_tc_main = pl.pallas_call(
    _tc_main_body,
    grid=(_GRID,),
    in_specs=[pl.BlockSpec((_ROWS, _D), _row_block)] + _W_SPECS,
    out_specs=pl.BlockSpec((_ROWS, _D), _row_block),
    out_shape=jax.ShapeDtypeStruct((_N, _D), jnp.float32),
    compiler_params=pltpu.CompilerParams(
        dimension_semantics=("parallel",),
    ),
)


def _lane_to_rows(c, nrows):
    ct = c.T
    return jnp.concatenate(
        [lax.slice(ct, (0, a), (_D, a + 1)) for a in range(nrows // _D)],
        axis=0)


def _tc_fix_body(c_ref, wv_ref, bv_ref, wo_ref, bo_ref,
                 ln1w_ref, ln1b_ref, w1_ref, b1_ref, w2_ref, b2_ref,
                 ln2w_ref, ln2b_ref, v_any, outin_any, out_any, xv_scr, sem):
    cr = _NPAD // _D
    c = c_ref[0:cr, :] + c_ref[cr:2 * cr, :]

    weights = (wv_ref[:], bv_ref[:], wo_ref[:], bo_ref[:], ln1w_ref[:],
               ln1b_ref[:], w1_ref[:], b1_ref[:], w2_ref[:], b2_ref[:],
               ln2w_ref[:], ln2b_ref[:])

    rpb = _ROWS // _D
    for j in range(_GRID):
        cj = lax.slice(c, (j * rpb, 0), ((j + 1) * rpb, _D))
        nrows = _ROWS if j < _GRID - 1 else _TAIL

        @pl.when(jnp.any(cj <= 0.5))
        def _(cj=cj, j=j, nrows=nrows):
            cp = pltpu.make_async_copy(
                v_any.at[pl.ds(j * _ROWS, nrows), :],
                xv_scr.at[pl.ds(0, nrows), :], sem)
            cp.start()
            cp.wait()
            cnt = _lane_to_rows(cj, _ROWS)[:nrows]
            ind = jnp.where(cnt > 0.5, 1.0, 0.0)
            xv = xv_scr[pl.ds(0, nrows), :]
            xv_scr[pl.ds(0, nrows), :] = _dense_pipeline(xv, ind, *weights)
            cp = pltpu.make_async_copy(
                xv_scr.at[pl.ds(0, nrows), :],
                out_any.at[pl.ds(j * _ROWS, nrows), :], sem)
            cp.start()
            cp.wait()


_tc_fix = pl.pallas_call(
    _tc_fix_body,
    grid=(1,),
    in_specs=[
        pl.BlockSpec((_NC * _NPAD // _D, _D), _pinned),
    ] + _W_SPECS + [
        pl.BlockSpec(memory_space=pl.ANY),
        pl.BlockSpec(memory_space=pl.ANY),
    ],
    out_specs=pl.BlockSpec(memory_space=pl.ANY),
    out_shape=jax.ShapeDtypeStruct((_N, _D), jnp.float32),
    scratch_shapes=[
        pltpu.VMEM((_ROWS, _D), jnp.float32),
        pltpu.SemaphoreType.DMA,
    ],
    input_output_aliases={14: 0},
    compiler_params=pltpu.CompilerParams(
        dimension_semantics=("arbitrary",),
    ),
)


def kernel(q, k, v, self_indices, neighbor_indices, Wq, bq, Wk, bk, Wv, bv,
           Wo, bo, ln1_w, ln1_b, W1, b1, W2, b2, ln2_w, ln2_b):
    counts = _sc_count()(self_indices, jnp.asarray(_PAYLOAD))
    counts = counts.reshape(_NC * _NPAD // _D, _D)
    row = lambda a: a.reshape(1, _D)
    weights = (Wv, row(bv), Wo, row(bo), row(ln1_w), row(ln1_b),
               W1, row(b1), W2, row(b2), row(ln2_w), row(ln2_b))
    main = _tc_main(v, *weights)
    return _tc_fix(counts, *weights, v, main)

# --- scband reference (transcript-rebuilt; emitter-appended) ---
"""Pipeline reference for scband-dot-attention-layer-36146444763807 (READ-ONLY COPY).

The authoritative reference and input builder live on the scoring server;
editing this copy changes nothing except your own understanding.
"""

import jax, jax.numpy as jnp
import numpy as np

N = 10000
E = 320000
D = 128
H = 8
HD = D // H


def _layernorm(x, w, b):
    m = jnp.mean(x, axis=-1, keepdims=True)
    var = jnp.var(x, axis=-1, keepdims=True)
    return (x - m) / jnp.sqrt(var + 1e-05) * w + b


def _forward(q, k, v, self_idx, neigh_idx, Wq, bq, Wk, bk, Wv, bv, Wo, bo, ln1_w, ln1_b, W1, b1, W2, b2, ln2_w, ln2_b):
    bs = q.shape[0]
    ql = (q @ Wq.T + bq).reshape(bs, H, HD)
    kl = (k @ Wk.T + bk).reshape(bs, H, HD)
    vl = (v @ Wv.T + bv).reshape(bs, H, HD)
    qe = jnp.take(ql, self_idx, axis=0)
    ke = jnp.take(kl, neigh_idx, axis=0)
    scores = jnp.sum(qe * ke, axis=-1, keepdims=True) / np.sqrt(HD)
    ex = jnp.exp(scores)
    denom = jax.ops.segment_sum(ex, self_idx, num_segments=bs)
    attn = ex / jnp.take(denom, self_idx, axis=0)
    ve = jnp.take(vl, self_idx, axis=0)
    agg = jax.ops.segment_sum(attn * ve, self_idx, num_segments=bs)
    agg = agg.reshape(bs, D)
    v2 = agg @ Wo.T + bo
    x = v + v2
    x = _layernorm(x, ln1_w, ln1_b)
    v2 = jnp.maximum(x @ W1.T + b1, 0.0) @ W2.T + b2
    x = x + v2
    x = _layernorm(x, ln2_w, ln2_b)
    return x


def setup_inputs(seed: int = 0):
    key = jax.random.key(seed)
    ks = jax.random.split(key, 16)
    s = float(1.0 / np.sqrt(D))
    inp = {}
    inp['q'] = jax.random.normal(ks[0], (N, D), dtype=jnp.float32)
    inp['k'] = jax.random.normal(ks[1], (N, D), dtype=jnp.float32)
    inp['v'] = jax.random.normal(ks[2], (N, D), dtype=jnp.float32)
    inp['self_indices'] = jax.random.randint(ks[3], (E,), 0, N, dtype=jnp.int32)
    inp['neighbor_indices'] = jax.random.randint(ks[4], (E,), 0, N, dtype=jnp.int32)
    inp['Wq'] = jax.random.uniform(ks[5], (D, D), minval=-s, maxval=s, dtype=jnp.float32)
    inp['bq'] = jnp.zeros((D,), dtype=jnp.float32)
    inp['Wk'] = jax.random.uniform(ks[6], (D, D), minval=-s, maxval=s, dtype=jnp.float32)
    inp['bk'] = jnp.zeros((D,), dtype=jnp.float32)
    inp['Wv'] = jax.random.uniform(ks[7], (D, D), minval=-s, maxval=s, dtype=jnp.float32)
    inp['bv'] = jnp.zeros((D,), dtype=jnp.float32)
    inp['Wo'] = jax.random.uniform(ks[8], (D, D), minval=-s, maxval=s, dtype=jnp.float32)
    inp['bo'] = jnp.zeros((D,), dtype=jnp.float32)
    inp['ln1_w'] = jnp.ones((D,), dtype=jnp.float32)
    inp['ln1_b'] = jnp.zeros((D,), dtype=jnp.float32)
    inp['W1'] = jax.random.uniform(ks[9], (D, D), minval=-s, maxval=s, dtype=jnp.float32)
    inp['b1'] = jnp.zeros((D,), dtype=jnp.float32)
    inp['W2'] = jax.random.uniform(ks[10], (D, D), minval=-s, maxval=s, dtype=jnp.float32)
    inp['b2'] = jnp.zeros((D,), dtype=jnp.float32)
    inp['ln2_w'] = jnp.ones((D,), dtype=jnp.float32)
    inp['ln2_b'] = jnp.zeros((D,), dtype=jnp.float32)
    return inp


def reference(q, k, v, self_indices, neighbor_indices, Wq, bq, Wk, bk, Wv, bv, Wo, bo, ln1_w, ln1_b, W1, b1, W2, b2, ln2_w, ln2_b):
    return _forward(q, k, v, self_indices, neighbor_indices, Wq, bq, Wk, bk, Wv, bv, Wo, bo, ln1_w, ln1_b, W1, b1, W2, b2, ln2_w, ln2_b)

if __name__ == "__main__":
    import jax
    _d = setup_inputs()
    print(jax.jit(kernel)(*tuple(_d.values())))

</pallas_src>

<mosaic_0001>
#map = affine_map<(d0, d1) -> (0)>
module attributes {stable_mosaic.version = 14 : i64} {
  func.func @_sc_count_body(%arg0: i32, %arg1: i32, %arg2: memref<320000xi32, #tpu.memory_space<hbm>>, %arg3: memref<11280xf32, #tpu.memory_space<hbm>>, %arg4: memref<20480xf32, #tpu.memory_space<hbm>>, %arg5: memref<10000xi32, #tpu.memory_space<vmem>>, %arg6: memref<11280xf32, #tpu.memory_space<vmem>>, %arg7: memref<10240xf32, #tpu.memory_space<vmem_shared>>, %arg8: memref<!tpu.dma_semaphore, #tpu.memory_space<semaphore_mem>>, %arg9: memref<!tpu.dma_semaphore, #tpu.memory_space<semaphore_mem>>) attributes {dimension_semantics = [#tpu.dimension_semantics<core_parallel>, #tpu.dimension_semantics<subcore_parallel>], iteration_bounds = array<i64: 2, 16>, scalar_prefetch = 0 : i64, scratch_operands = 5 : i64, tpu.core_type = #tpu.core_type<sc_vector_subcore>, window_params = [{transform_indices = #map}, {transform_indices = #map}, {transform_indices = #map}]} {
    %mul3A = arith.constant 2 : i32
    %mul3A_0 = arith.muli %arg1, %mul3A : i32
    %add3A = arith.addi %mul3A_0, %arg0 : i32
    tpu.enqueue_dma source(%arg3 : memref<11280xf32, #tpu.memory_space<hbm>>) target(%arg6 : memref<11280xf32, #tpu.memory_space<vmem>>) target_semaphore(%arg8 : memref<!tpu.dma_semaphore, #tpu.memory_space<semaphore_mem>>)
    %mul3A_1 = arith.constant 10000 : i32
    %mul3A_2 = arith.muli %add3A, %mul3A_1 : i32
    %dma_start3A = tpu.memref_slice %arg2[%mul3A_2] : memref<320000xi32, #tpu.memory_space<hbm>> -> memref<10000xi32, #tpu.memory_space<hbm>>
    %dma_start3A_3 = tpu.memref_slice %arg2[%mul3A_2] : memref<320000xi32, #tpu.memory_space<hbm>> -> memref<10000xi32, #tpu.memory_space<hbm>>
    tpu.enqueue_dma source(%dma_start3A_3 : memref<10000xi32, #tpu.memory_space<hbm>>) target(%arg5 : memref<10000xi32, #tpu.memory_space<vmem>>) target_semaphore(%arg9 : memref<!tpu.dma_semaphore, #tpu.memory_space<semaphore_mem>>)
    tpu.wait_dma2 semaphore(%arg8 : memref<!tpu.dma_semaphore, #tpu.memory_space<semaphore_mem>>) src(%arg3 : memref<11280xf32, #tpu.memory_space<hbm>>) dst(%arg6 : memref<11280xf32, #tpu.memory_space<vmem>>)
    %eq3A = arith.constant 15 : i32
    %eq3A_4 = arith.cmpi eq, %arg1, %eq3A : i32
    %jit3A = arith.constant 10640 : i32
    %jit3A_5 = arith.constant 10000 : i32
    %select_n3A = arith.select %eq3A_4, %jit3A, %jit3A_5 : i32
    %mul3A_6 = arith.constant 640 : i32
    %mul3A_7 = arith.muli %arg1, %mul3A_6 : i32
    "tpu.region"() ({
      %run_scoped3A = tpu.sem_alloc : memref<!tpu.dma_semaphore, #tpu.memory_space<semaphore_mem>>
      %dma_start3A_17 = tpu.memref_slice %arg6[%select_n3A] : memref<11280xf32, #tpu.memory_space<vmem>> -> memref<640xf32, #tpu.memory_space<vmem>>
      %dma_start3A_18 = tpu.memref_slice %arg7[%mul3A_7] : memref<10240xf32, #tpu.memory_space<vmem_shared>> -> memref<640xf32, #tpu.memory_space<vmem_shared>>
      %dma_start3A_19 = tpu.memref_slice %arg7[%mul3A_7] : memref<10240xf32, #tpu.memory_space<vmem_shared>> -> memref<640xf32, #tpu.memory_space<vmem_shared>>
      %dma_start3A_20 = tpu.memref_slice %arg6[%select_n3A] : memref<11280xf32, #tpu.memory_space<vmem>> -> memref<640xf32, #tpu.memory_space<vmem>>
      tpu.enqueue_dma source(%dma_start3A_20 : memref<640xf32, #tpu.memory_space<vmem>>) target(%dma_start3A_19 : memref<640xf32, #tpu.memory_space<vmem_shared>>) target_semaphore(%run_scoped3A : memref<!tpu.dma_semaphore, #tpu.memory_space<semaphore_mem>>)
      %dma_wait3A_21 = tpu.memref_slice %arg6[%select_n3A] : memref<11280xf32, #tpu.memory_space<vmem>> -> memref<640xf32, #tpu.memory_space<vmem>>
      %dma_wait3A_22 = tpu.memref_slice %arg7[%mul3A_7] : memref<10240xf32, #tpu.memory_space<vmem_shared>> -> memref<640xf32, #tpu.memory_space<vmem_shared>>
      %dma_wait3A_23 = tpu.memref_slice %arg7[%mul3A_7] : memref<10240xf32, #tpu.memory_space<vmem_shared>> -> memref<640xf32, #tpu.memory_space<vmem_shared>>
      %dma_wait3A_24 = tpu.memref_slice %arg6[%select_n3A] : memref<11280xf32, #tpu.memory_space<vmem>> -> memref<640xf32, #tpu.memory_space<vmem>>
      tpu.wait_dma2 semaphore(%run_scoped3A : memref<!tpu.dma_semaphore, #tpu.memory_space<semaphore_mem>>) src(%dma_wait3A_24 : memref<640xf32, #tpu.memory_space<vmem>>) dst(%dma_wait3A_23 : memref<640xf32, #tpu.memory_space<vmem_shared>>)
      tpu.yield
    }) : () -> ()
    %dma_wait3A = tpu.memref_slice %arg2[%mul3A_2] : memref<320000xi32, #tpu.memory_space<hbm>> -> memref<10000xi32, #tpu.memory_space<hbm>>
    %dma_wait3A_8 = tpu.memref_slice %arg2[%mul3A_2] : memref<320000xi32, #tpu.memory_space<hbm>> -> memref<10000xi32, #tpu.memory_space<hbm>>
    tpu.wait_dma2 semaphore(%arg9 : memref<!tpu.dma_semaphore, #tpu.memory_space<semaphore_mem>>) src(%dma_wait3A_8 : memref<10000xi32, #tpu.memory_space<hbm>>) dst(%arg5 : memref<10000xi32, #tpu.memory_space<vmem>>)
    %barrier3A = arith.constant 0 : index
    tpu.barrier barrier_id(%barrier3A)
    "tpu.region"() ({
      %run_scoped3A = tpu.sem_alloc : memref<!tpu.dma_semaphore, #tpu.memory_space<semaphore_mem>>
      %dma_start3A_17 = arith.constant 0 : i32
      %dma_start3A_18 = tpu.memref_slice %arg6[%dma_start3A_17] : memref<11280xf32, #tpu.memory_space<vmem>> -> memref<10000xf32, #tpu.memory_space<vmem>>
      %dma_start3A_19 = arith.constant 0 : i32
      %dma_start3A_20 = tpu.memref_slice %arg7[%dma_start3A_19] : memref<10240xf32, #tpu.memory_space<vmem_shared>> -> memref<10240xf32, #tpu.memory_space<vmem_shared>>
      tpu.enqueue_indirect_dma source(%dma_start3A_18 : memref<10000xf32, #tpu.memory_space<vmem>>) target(%dma_start3A_20 : memref<10240xf32, #tpu.memory_space<vmem_shared>>) offsets(%arg5 : memref<10000xi32, #tpu.memory_space<vmem>>) semaphore(%run_scoped3A : memref<!tpu.dma_semaphore, #tpu.memory_space<semaphore_mem>>) {add = true}
      %dma_wait3A_21 = arith.constant 0 : i32
      %dma_wait3A_22 = tpu.memref_slice %arg6[%dma_wait3A_21] : memref<11280xf32, #tpu.memory_space<vmem>> -> memref<10000xf32, #tpu.memory_space<vmem>>
      %dma_wait3A_23 = arith.constant 0 : i32
      %dma_wait3A_24 = tpu.memref_slice %arg7[%dma_wait3A_23] : memref<10240xf32, #tpu.memory_space<vmem_shared>> -> memref<10240xf32, #tpu.memory_space<vmem_shared>>
      tpu.wait_indirect_dma semaphore(%run_scoped3A : memref<!tpu.dma_semaphore, #tpu.memory_space<semaphore_mem>>) src(%dma_wait3A_22 : memref<10000xf32, #tpu.memory_space<vmem>>) dst(%dma_wait3A_24 : memref<10240xf32, #tpu.memory_space<vmem_shared>>)
      tpu.yield
    }) : () -> ()
    %barrier3A_9 = arith.constant 0 : index
    tpu.barrier barrier_id(%barrier3A_9)
    %mul3A_10 = arith.constant 640 : i32
    %mul3A_11 = arith.muli %arg1, %mul3A_10 : i32
    %mul3A_12 = arith.constant 10240 : i32
    %mul3A_13 = arith.muli %arg0, %mul3A_12 : i32
    %mul3A_14 = arith.constant 640 : i32
    %mul3A_15 = arith.muli %arg1, %mul3A_14 : i32
    %add3A_16 = arith.addi %mul3A_13, %mul3A_15 : i32
    "tpu.region"() ({
      %run_scoped3A = tpu.sem_alloc : memref<!tpu.dma_semaphore, #tpu.memory_space<semaphore_mem>>
      %dma_start3A_17 = tpu.memref_slice %arg4[%add3A_16] : memref<20480xf32, #tpu.memory_space<hbm>> -> memref<640xf32, #tpu.memory_space<hbm>>
      %dma_start3A_18 = tpu.memref_slice %arg7[%mul3A_11] : memref<10240xf32, #tpu.memory_space<vmem_shared>> -> memref<640xf32, #tpu.memory_space<vmem_shared>>
      tpu.enqueue_dma source(%dma_start3A_18 : memref<640xf32, #tpu.memory_space<vmem_shared>>) target(%dma_start3A_17 : memref<640xf32, #tpu.memory_space<hbm>>) target_semaphore(%run_scoped3A : memref<!tpu.dma_semaphore, #tpu.memory_space<semaphore_mem>>)
      %dma_wait3A_19 = tpu.memref_slice %arg4[%add3A_16] : memref<20480xf32, #tpu.memory_space<hbm>> -> memref<640xf32, #tpu.memory_space<hbm>>
      %dma_wait3A_20 = tpu.memref_slice %arg7[%mul3A_11] : memref<10240xf32, #tpu.memory_space<vmem_shared>> -> memref<640xf32, #tpu.memory_space<vmem_shared>>
      tpu.wait_dma2 semaphore(%run_scoped3A : memref<!tpu.dma_semaphore, #tpu.memory_space<semaphore_mem>>) src(%dma_wait3A_20 : memref<640xf32, #tpu.memory_space<vmem_shared>>) dst(%dma_wait3A_19 : memref<640xf32, #tpu.memory_space<hbm>>)
      tpu.yield
    }) : () -> ()
    return
  }
}

module attributes {stable_mosaic.version = 14 : i64} {
  func.func @_tc_main_body(%arg0: i32, %arg1: memref<2560x128xf32, #tpu.memory_space<vmem>>, %arg2: memref<128x128xf32, #tpu.memory_space<vmem>>, %arg3: memref<1x128xf32, #tpu.memory_space<vmem>>, %arg4: memref<128x128xf32, #tpu.memory_space<vmem>>, %arg5: memref<1x128xf32, #tpu.memory_space<vmem>>, %arg6: memref<1x128xf32, #tpu.memory_space<vmem>>, %arg7: memref<1x128xf32, #tpu.memory_space<vmem>>, %arg8: memref<128x128xf32, #tpu.memory_space<vmem>>, %arg9: memref<1x128xf32, #tpu.memory_space<vmem>>, %arg10: memref<128x128xf32, #tpu.memory_space<vmem>>, %arg11: memref<1x128xf32, #tpu.memory_space<vmem>>, %arg12: memref<1x128xf32, #tpu.memory_space<vmem>>, %arg13: memref<1x128xf32, #tpu.memory_space<vmem>>, %arg14: memref<2560x128xf32, #tpu.memory_space<vmem>>) attributes {dimension_semantics = [#tpu.dimension_semantics<parallel>], iteration_bounds = array<i64: 4>, scalar_prefetch = 0 : i64, scratch_operands = 0 : i64, tpu.core_type = #tpu.core_type<tc>, window_params = [{transform_indices = @transform_0, window_bounds = array<i64: 2560, 128>}, {pipeline_mode = #tpu.pipeline_mode<synchronous>, transform_indices = @transform_1, window_bounds = array<i64: 128, 128>}, {pipeline_mode = #tpu.pipeline_mode<synchronous>, transform_indices = @transform_2, window_bounds = array<i64: 1, 128>}, {pipeline_mode = #tpu.pipeline_mode<synchronous>, transform_indices = @transform_3, window_bounds = array<i64: 128, 128>}, {pipeline_mode = #tpu.pipeline_mode<synchronous>, transform_indices = @transform_4, window_bounds = array<i64: 1, 128>}, {pipeline_mode = #tpu.pipeline_mode<synchronous>, transform_indices = @transform_5, window_bounds = array<i64: 1, 128>}, {pipeline_mode = #tpu.pipeline_mode<synchronous>, transform_indices = @transform_6, window_bounds = array<i64: 1, 128>}, {pipeline_mode = #tpu.pipeline_mode<synchronous>, transform_indices = @transform_7, window_bounds = array<i64: 128, 128>}, {pipeline_mode = #tpu.pipeline_mode<synchronous>, transform_indices = @transform_8, window_bounds = array<i64: 1, 128>}, {pipeline_mode = #tpu.pipeline_mode<synchronous>, transform_indices = @transform_9, window_bounds = array<i64: 128, 128>}, {pipeline_mode = #tpu.pipeline_mode<synchronous>, transform_indices = @transform_10, window_bounds = array<i64: 1, 128>}, {pipeline_mode = #tpu.pipeline_mode<synchronous>, transform_indices = @transform_11, window_bounds = array<i64: 1, 128>}, {pipeline_mode = #tpu.pipeline_mode<synchronous>, transform_indices = @transform_12, window_bounds = array<i64: 1, 128>}, {transform_indices = @transform_13, window_bounds = array<i64: 2560, 128>}]} {
    %get3A = arith.constant 0 : index
    %get3A_0 = arith.constant 0 : index
    %get3A_1 = vector.load %arg1[%get3A, %get3A_0] : memref<2560x128xf32, #tpu.memory_space<vmem>>, vector<2560x128xf32>
    %get3A_2 = arith.constant 0 : index
    %get3A_3 = arith.constant 0 : index
    %get3A_4 = vector.load %arg2[%get3A_2, %get3A_3] : memref<128x128xf32, #tpu.memory_space<vmem>>, vector<128x128xf32>
    %get3A_5 = arith.constant 0 : index
    %get3A_6 = arith.constant 0 : index
    %get3A_7 = vector.load %arg3[%get3A_5, %get3A_6] : memref<1x128xf32, #tpu.memory_space<vmem>>, vector<1x128xf32>
    %get3A_8 = arith.constant 0 : index
    %get3A_9 = arith.constant 0 : index
    %get3A_10 = vector.load %arg4[%get3A_8, %get3A_9] : memref<128x128xf32, #tpu.memory_space<vmem>>, vector<128x128xf32>
    %get3A_11 = arith.constant 0 : index
    %get3A_12 = arith.constant 0 : index
    %get3A_13 = vector.load %arg5[%get3A_11, %get3A_12] : memref<1x128xf32, #tpu.memory_space<vmem>>, vector<1x128xf32>
    %get3A_14 = arith.constant 0 : index
    %get3A_15 = arith.constant 0 : index
    %get3A_16 = vector.load %arg6[%get3A_14, %get3A_15] : memref<1x128xf32, #tpu.memory_space<vmem>>, vector<1x128xf32>
    %get3A_17 = arith.constant 0 : index
    %get3A_18 = arith.constant 0 : index
    %get3A_19 = vector.load %arg7[%get3A_17, %get3A_18] : memref<1x128xf32, #tpu.memory_space<vmem>>, vector<1x128xf32>
    %get3A_20 = arith.constant 0 : index
    %get3A_21 = arith.constant 0 : index
    %get3A_22 = vector.load %arg8[%get3A_20, %get3A_21] : memref<128x128xf32, #tpu.memory_space<vmem>>, vector<128x128xf32>
    %get3A_23 = arith.constant 0 : index
    %get3A_24 = arith.constant 0 : index
    %get3A_25 = vector.load %arg9[%get3A_23, %get3A_24] : memref<1x128xf32, #tpu.memory_space<vmem>>, vector<1x128xf32>
    %get3A_26 = arith.constant 0 : index
    %get3A_27 = arith.constant 0 : index
    %get3A_28 = vector.load %arg10[%get3A_26, %get3A_27] : memref<128x128xf32, #tpu.memory_space<vmem>>, vector<128x128xf32>
    %get3A_29 = arith.constant 0 : index
    %get3A_30 = arith.constant 0 : index
    %get3A_31 = vector.load %arg11[%get3A_29, %get3A_30] : memref<1x128xf32, #tpu.memory_space<vmem>>, vector<1x128xf32>
    %get3A_32 = arith.constant 0 : index
    %get3A_33 = arith.constant 0 : index
    %get3A_34 = vector.load %arg12[%get3A_32, %get3A_33] : memref<1x128xf32, #tpu.memory_space<vmem>>, vector<1x128xf32>
    %get3A_35 = arith.constant 0 : index
    %get3A_36 = arith.constant 0 : index
    %get3A_37 = vector.load %arg13[%get3A_35, %get3A_36] : memref<1x128xf32, #tpu.memory_space<vmem>>, vector<1x128xf32>
    %dot_general3A = arith.constant dense<0.000000e+00> : vector<2560x128xf32>
    %dot_general3A_38 = tpu.matmul %get3A_1, %get3A_4, %dot_general3A {dimension_numbers = #tpu.dot_dimension_numbers<[1], [1], [0], [0], [0, 0, 1, 0], [], []>, transpose_lhs_hint = false} : vector<2560x128xf32>, vector<128x128xf32>, vector<2560x128xf32> -> vector<2560x128xf32>
    %add3A = vector.broadcast %get3A_7 : vector<1x128xf32> to vector<2560x128xf32>
    %add3A_39 = arith.addf %dot_general3A_38, %add3A : vector<2560x128xf32>
    %dot_general3A_40 = arith.constant dense<0.000000e+00> : vector<2560x128xf32>
    %dot_general3A_41 = tpu.matmul %add3A_39, %get3A_10, %dot_general3A_40 {dimension_numbers = #tpu.dot_dimension_numbers<[1], [1], [0], [0], [0, 0, 1, 0], [], []>, transpose_lhs_hint = false} : vector<2560x128xf32>, vector<128x128xf32>, vector<2560x128xf32> -> vector<2560x128xf32>
    %add3A_42 = vector.broadcast %get3A_13 : vector<1x128xf32> to vector<2560x128xf32>
    %add3A_43 = arith.addf %dot_general3A_41, %add3A_42 : vector<2560x128xf32>
    %add3A_44 = arith.addf %get3A_1, %add3A_43 : vector<2560x128xf32>
    %reduce_sum3A = arith.constant dense<0.000000e+00> : vector<2560xf32>
    %reduce_sum3A_45 = vector.multi_reduction <add>, %add3A_44, %reduce_sum3A [1] : vector<2560x128xf32> to vector<2560xf32>
    %broadcast_in_dim3A = vector.shape_cast %reduce_sum3A_45 : vector<2560xf32> to vector<2560x1xf32>
    %div3A = arith.constant 1.280000e+02 : f32
    %div3A_46 = vector.broadcast %div3A : f32 to vector<2560x1xf32>
    %div3A_47 = arith.divf %broadcast_in_dim3A, %div3A_46 : vector<2560x1xf32>
    %jit3A = arith.constant 0 : i32
    %reduce_sum3A_48 = arith.constant dense<0.000000e+00> : vector<2560xf32>
    %reduce_sum3A_49 = vector.multi_reduction <add>, %add3A_44, %reduce_sum3A_48 [1] : vector<2560x128xf32> to vector<2560xf32>
    %broadcast_in_dim3A_50 = vector.shape_cast %reduce_sum3A_49 : vector<2560xf32> to vector<2560x1xf32>
    %div3A_51 = arith.constant 1.280000e+02 : f32
    %div3A_52 = vector.broadcast %div3A_51 : f32 to vector<2560x1xf32>
    %div3A_53 = arith.divf %broadcast_in_dim3A_50, %div3A_52 : vector<2560x1xf32>
    %sub3A = vector.broadcast %div3A_53 : vector<2560x1xf32> to vector<2560x128xf32>
    %sub3A_54 = arith.subf %add3A_44, %sub3A : vector<2560x128xf32>
    %square3A = arith.mulf %sub3A_54, %sub3A_54 : vector<2560x128xf32>
    %convert_element_type3A = arith.sitofp %jit3A : i32 to f32
    %sub3A_55 = arith.constant 1.280000e+02 : f32
    %sub3A_56 = arith.subf %sub3A_55, %convert_element_type3A : f32
    %reduce_sum3A_57 = arith.constant dense<0.000000e+00> : vector<2560xf32>
    %reduce_sum3A_58 = vector.multi_reduction <add>, %square3A, %reduce_sum3A_57 [1] : vector<2560x128xf32> to vector<2560xf32>
    %broadcast_in_dim3A_59 = vector.shape_cast %reduce_sum3A_58 : vector<2560xf32> to vector<2560x1xf32>
    %div3A_60 = vector.broadcast %sub3A_56 : f32 to vector<2560x1xf32>
    %div3A_61 = arith.divf %broadcast_in_dim3A_59, %div3A_60 : vector<2560x1xf32>
    %gt3A = arith.constant 0.000000e+00 : f32
    %gt3A_62 = arith.cmpf ogt, %sub3A_56, %gt3A : f32
    %jit3A_63 = arith.constant 0x7FC00000 : f32
    %broadcast_in_dim3A_64 = vector.broadcast %jit3A_63 : f32 to vector<2560x1xf32>
    %select_n3A = arith.select %gt3A_62, %div3A_61, %broadcast_in_dim3A_64 : vector<2560x1xf32>
    %sub3A_65 = vector.broadcast %div3A_47 : vector<2560x1xf32> to vector<2560x128xf32>
    %sub3A_66 = arith.subf %add3A_44, %sub3A_65 : vector<2560x128xf32>
    %add3A_67 = arith.constant 9.99999974E-6 : f32
    %add3A_68 = vector.broadcast %add3A_67 : f32 to vector<2560x1xf32>
    %add3A_69 = arith.addf %select_n3A, %add3A_68 : vector<2560x1xf32>
    %sqrt3A = math.sqrt %add3A_69 : vector<2560x1xf32>
    %div3A_70 = vector.broadcast %sqrt3A : vector<2560x1xf32> to vector<2560x128xf32>
    %div3A_71 = arith.divf %sub3A_66, %div3A_70 : vector<2560x128xf32>
    %mul3A = vector.broadcast %get3A_16 : vector<1x128xf32> to vector<2560x128xf32>
    %mul3A_72 = arith.mulf %div3A_71, %mul3A : vector<2560x128xf32>
    %add3A_73 = vector.broadcast %get3A_19 : vector<1x128xf32> to vector<2560x128xf32>
    %add3A_74 = arith.addf %mul3A_72, %add3A_73 : vector<2560x128xf32>
    %dot_general3A_75 = arith.constant dense<0.000000e+00> : vector<2560x128xf32>
    %dot_general3A_76 = tpu.matmul %add3A_74, %get3A_22, %dot_general3A_75 {dimension_numbers = #tpu.dot_dimension_numbers<[1], [1], [0], [0], [0, 0, 1, 0], [], []>, transpose_lhs_hint = false} : vector<2560x128xf32>, vector<128x128xf32>, vector<2560x128xf32> -> vector<2560x128xf32>
    %add3A_77 = vector.broadcast %get3A_25 : vector<1x128xf32> to vector<2560x128xf32>
    %add3A_78 = arith.addf %dot_general3A_76, %add3A_77 : vector<2560x128xf32>
    %max3A = arith.constant 0.000000e+00 : f32
    %max3A_79 = vector.broadcast %max3A : f32 to vector<2560x128xf32>
    %max3A_80 = arith.maximumf %add3A_78, %max3A_79 : vector<2560x128xf32>
    %dot_general3A_81 = arith.constant dense<0.000000e+00> : vector<2560x128xf32>
    %dot_general3A_82 = tpu.matmul %max3A_80, %get3A_28, %dot_general3A_81 {dimension_numbers = #tpu.dot_dimension_numbers<[1], [1], [0], [0], [0, 0, 1, 0], [], []>, transpose_lhs_hint = false} : vector<2560x128xf32>, vector<128x128xf32>, vector<2560x128xf32> -> vector<2560x128xf32>
    %add3A_83 = vector.broadcast %get3A_31 : vector<1x128xf32> to vector<2560x128xf32>
    %add3A_84 = arith.addf %dot_general3A_82, %add3A_83 : vector<2560x128xf32>
    %add3A_85 = arith.addf %add3A_74, %add3A_84 : vector<2560x128xf32>
    %reduce_sum3A_86 = arith.constant dense<0.000000e+00> : vector<2560xf32>
    %reduce_sum3A_87 = vector.multi_reduction <add>, %add3A_85, %reduce_sum3A_86 [1] : vector<2560x128xf32> to vector<2560xf32>
    %broadcast_in_dim3A_88 = vector.shape_cast %reduce_sum3A_87 : vector<2560xf32> to vector<2560x1xf32>
    %div3A_89 = arith.constant 1.280000e+02 : f32
    %div3A_90 = vector.broadcast %div3A_89 : f32 to vector<2560x1xf32>
    %div3A_91 = arith.divf %broadcast_in_dim3A_88, %div3A_90 : vector<2560x1xf32>
    %jit3A_92 = arith.constant 0 : i32
    %reduce_sum3A_93 = arith.constant dense<0.000000e+00> : vector<2560xf32>
    %reduce_sum3A_94 = vector.multi_reduction <add>, %add3A_85, %reduce_sum3A_93 [1] : vector<2560x128xf32> to vector<2560xf32>
    %broadcast_in_dim3A_95 = vector.shape_cast %reduce_sum3A_94 : vector<2560xf32> to vector<2560x1xf32>
    %div3A_96 = arith.constant 1.280000e+02 : f32
    %div3A_97 = vector.broadcast %div3A_96 : f32 to vector<2560x1xf32>
    %div3A_98 = arith.divf %broadcast_in_dim3A_95, %div3A_97 : vector<2560x1xf32>
    %sub3A_99 = vector.broadcast %div3A_98 : vector<2560x1xf32> to vector<2560x128xf32>
    %sub3A_100 = arith.subf %add3A_85, %sub3A_99 : vector<2560x128xf32>
    %square3A_101 = arith.mulf %sub3A_100, %sub3A_100 : vector<2560x128xf32>
    %convert_element_type3A_102 = arith.sitofp %jit3A_92 : i32 to f32
    %sub3A_103 = arith.constant 1.280000e+02 : f32
    %sub3A_104 = arith.subf %sub3A_103, %convert_element_type3A_102 : f32
    %reduce_sum3A_105 = arith.constant dense<0.000000e+00> : vector<2560xf32>
    %reduce_sum3A_106 = vector.multi_reduction <add>, %square3A_101, %reduce_sum3A_105 [1] : vector<2560x128xf32> to vector<2560xf32>
    %broadcast_in_dim3A_107 = vector.shape_cast %reduce_sum3A_106 : vector<2560xf32> to vector<2560x1xf32>
    %div3A_108 = vector.broadcast %sub3A_104 : f32 to vector<2560x1xf32>
    %div3A_109 = arith.divf %broadcast_in_dim3A_107, %div3A_108 : vector<2560x1xf32>
    %gt3A_110 = arith.constant 0.000000e+00 : f32
    %gt3A_111 = arith.cmpf ogt, %sub3A_104, %gt3A_110 : f32
    %jit3A_112 = arith.constant 0x7FC00000 : f32
    %broadcast_in_dim3A_113 = vector.broadcast %jit3A_112 : f32 to vector<2560x1xf32>
    %select_n3A_114 = arith.select %gt3A_111, %div3A_109, %broadcast_in_dim3A_113 : vector<2560x1xf32>
    %sub3A_115 = vector.broadcast %div3A_91 : vector<2560x1xf32> to vector<2560x128xf32>
    %sub3A_116 = arith.subf %add3A_85, %sub3A_115 : vector<2560x128xf32>
    %add3A_117 = arith.constant 9.99999974E-6 : f32
    %add3A_118 = vector.broadcast %add3A_117 : f32 to vector<2560x1xf32>
    %add3A_119 = arith.addf %select_n3A_114, %add3A_118 : vector<2560x1xf32>
    %sqrt3A_120 = math.sqrt %add3A_119 : vector<2560x1xf32>
    %div3A_121 = vector.broadcast %sqrt3A_120 : vector<2560x1xf32> to vector<2560x128xf32>
    %div3A_122 = arith.divf %sub3A_116, %div3A_121 : vector<2560x128xf32>
    %mul3A_123 = vector.broadcast %get3A_34 : vector<1x128xf32> to vector<2560x128xf32>
    %mul3A_124 = arith.mulf %div3A_122, %mul3A_123 : vector<2560x128xf32>
    %add3A_125 = vector.broadcast %get3A_37 : vector<1x128xf32> to vector<2560x128xf32>
    %add3A_126 = arith.addf %mul3A_124, %add3A_125 : vector<2560x128xf32>
    %swap3A = arith.constant 0 : index
    %swap3A_127 = arith.constant 0 : index
    %swap3A_128 = vector.load %arg14[%swap3A, %swap3A_127] : memref<2560x128xf32, #tpu.memory_space<vmem>>, vector<2560x128xf32>
    tpu.vector_store %arg14[%swap3A, %swap3A_127], %add3A_126 {strides = array<i32>} : memref<2560x128xf32, #tpu.memory_space<vmem>>, vector<2560x128xf32>,
    return
  }
  func.func @transform_0(%arg0: i32) -> (i32, i32) {
    %c0_i32 = arith.constant 0 : i32
    %c0_i32_0 = arith.constant 0 : i32
    return %arg0, %c0_i32 : i32, i32
  }
  func.func @transform_1(%arg0: i32) -> (i32, i32) {
    %c0_i32 = arith.constant 0 : i32
    %c0_i32_0 = arith.constant 0 : i32
    %c0_i32_1 = arith.constant 0 : i32
    return %c0_i32, %c0_i32_0 : i32, i32
  }
  func.func @transform_2(%arg0: i32) -> (i32, i32) {
    %c0_i32 = arith.constant 0 : i32
    %c0_i32_0 = arith.constant 0 : i32
    %c0_i32_1 = arith.constant 0 : i32
    return %c0_i32, %c0_i32_0 : i32, i32
  }
  func.func @transform_3(%arg0: i32) -> (i32, i32) {
    %c0_i32 = arith.constant 0 : i32
    %c0_i32_0 = arith.constant 0 : i32
    %c0_i32_1 = arith.constant 0 : i32
    return %c0_i32, %c0_i32_0 : i32, i32
  }
  func.func @transform_4(%arg0: i32) -> (i32, i32) {
    %c0_i32 = arith.constant 0 : i32
    %c0_i32_0 = arith.constant 0 : i32
    %c0_i32_1 = arith.constant 0 : i32
    return %c0_i32, %c0_i32_0 : i32, i32
  }
  func.func @transform_5(%arg0: i32) -> (i32, i32) {
    %c0_i32 = arith.constant 0 : i32
    %c0_i32_0 = arith.constant 0 : i32
    %c0_i32_1 = arith.constant 0 : i32
    return %c0_i32, %c0_i32_0 : i32, i32
  }
  func.func @transform_6(%arg0: i32) -> (i32, i32) {
    %c0_i32 = arith.constant 0 : i32
    %c0_i32_0 = arith.constant 0 : i32
    %c0_i32_1 = arith.constant 0 : i32
    return %c0_i32, %c0_i32_0 : i32, i32
  }
  func.func @transform_7(%arg0: i32) -> (i32, i32) {
    %c0_i32 = arith.constant 0 : i32
    %c0_i32_0 = arith.constant 0 : i32
    %c0_i32_1 = arith.constant 0 : i32
    return %c0_i32, %c0_i32_0 : i32, i32
  }
  func.func @transform_8(%arg0: i32) -> (i32, i32) {
    %c0_i32 = arith.constant 0 : i32
    %c0_i32_0 = arith.constant 0 : i32
    %c0_i32_1 = arith.constant 0 : i32
    return %c0_i32, %c0_i32_0 : i32, i32
  }
  func.func @transform_9(%arg0: i32) -> (i32, i32) {
    %c0_i32 = arith.constant 0 : i32
    %c0_i32_0 = arith.constant 0 : i32
    %c0_i32_1 = arith.constant 0 : i32
    return %c0_i32, %c0_i32_0 : i32, i32
  }
  func.func @transform_10(%arg0: i32) -> (i32, i32) {
    %c0_i32 = arith.constant 0 : i32
    %c0_i32_0 = arith.constant 0 : i32
    %c0_i32_1 = arith.constant 0 : i32
    return %c0_i32, %c0_i32_0 : i32, i32
  }
  func.func @transform_11(%arg0: i32) -> (i32, i32) {
    %c0_i32 = arith.constant 0 : i32
    %c0_i32_0 = arith.constant 0 : i32
    %c0_i32_1 = arith.constant 0 : i32
    return %c0_i32, %c0_i32_0 : i32, i32
  }
  func.func @transform_12(%arg0: i32) -> (i32, i32) {
    %c0_i32 = arith.constant 0 : i32
    %c0_i32_0 = arith.constant 0 : i32
    %c0_i32_1 = arith.constant 0 : i32
    return %c0_i32, %c0_i32_0 : i32, i32
  }
  func.func @transform_13(%arg0: i32) -> (i32, i32) {
    %c0_i32 = arith.constant 0 : i32
    %c0_i32_0 = arith.constant 0 : i32
    return %arg0, %c0_i32 : i32, i32
  }
}

module attributes {stable_mosaic.version = 14 : i64} {
  func.func @_tc_fix_body(%arg0: i32, %arg1: memref<160x128xf32, #tpu.memory_space<vmem>>, %arg2: memref<128x128xf32, #tpu.memory_space<vmem>>, %arg3: memref<1x128xf32, #tpu.memory_space<vmem>>, %arg4: memref<128x128xf32, #tpu.memory_space<vmem>>, %arg5: memref<1x128xf32, #tpu.memory_space<vmem>>, %arg6: memref<1x128xf32, #tpu.memory_space<vmem>>, %arg7: memref<1x128xf32, #tpu.memory_space<vmem>>, %arg8: memref<128x128xf32, #tpu.memory_space<vmem>>, %arg9: memref<1x128xf32, #tpu.memory_space<vmem>>, %arg10: memref<128x128xf32, #tpu.memory_space<vmem>>, %arg11: memref<1x128xf32, #tpu.memory_space<vmem>>, %arg12: memref<1x128xf32, #tpu.memory_space<vmem>>, %arg13: memref<1x128xf32, #tpu.memory_space<vmem>>, %arg14: memref<10000x128xf32, #tpu.memory_space<any>>, %arg15: memref<10000x128xf32, #tpu.memory_space<any>>, %arg16: memref<10000x128xf32, #tpu.memory_space<any>>, %arg17: memref<2560x128xf32, #tpu.memory_space<vmem>>, %arg18: memref<!tpu.dma_semaphore, #tpu.memory_space<semaphore_mem>>) attributes {dimension_semantics = [#tpu.dimension_semantics<arbitrary>], iteration_bounds = array<i64: 1>, scalar_prefetch = 0 : i64, scratch_operands = 2 : i64, tpu.core_type = #tpu.core_type<tc>, window_params = [{pipeline_mode = #tpu.pipeline_mode<synchronous>, transform_indices = @transform_0, window_bounds = array<i64: 160, 128>}, {pipeline_mode = #tpu.pipeline_mode<synchronous>, transform_indices = @transform_1, window_bounds = array<i64: 128, 128>}, {pipeline_mode = #tpu.pipeline_mode<synchronous>, transform_indices = @transform_2, window_bounds = array<i64: 1, 128>}, {pipeline_mode = #tpu.pipeline_mode<synchronous>, transform_indices = @transform_3, window_bounds = array<i64: 128, 128>}, {pipeline_mode = #tpu.pipeline_mode<synchronous>, transform_indices = @transform_4, window_bounds = array<i64: 1, 128>}, {pipeline_mode = #tpu.pipeline_mode<synchronous>, transform_indices = @transform_5, window_bounds = array<i64: 1, 128>}, {pipeline_mode = #tpu.pipeline_mode<synchronous>, transform_indices = @transform_6, window_bounds = array<i64: 1, 128>}, {pipeline_mode = #tpu.pipeline_mode<synchronous>, transform_indices = @transform_7, window_bounds = array<i64: 128, 128>}, {pipeline_mode = #tpu.pipeline_mode<synchronous>, transform_indices = @transform_8, window_bounds = array<i64: 1, 128>}, {pipeline_mode = #tpu.pipeline_mode<synchronous>, transform_indices = @transform_9, window_bounds = array<i64: 128, 128>}, {pipeline_mode = #tpu.pipeline_mode<synchronous>, transform_indices = @transform_10, window_bounds = array<i64: 1, 128>}, {pipeline_mode = #tpu.pipeline_mode<synchronous>, transform_indices = @transform_11, window_bounds = array<i64: 1, 128>}, {pipeline_mode = #tpu.pipeline_mode<synchronous>, transform_indices = @transform_12, window_bounds = array<i64: 1, 128>}, {}, {}, {}]} {
    %get3A = arith.constant 0 : index
    %get3A_0 = arith.constant 0 : index
    %get3A_1 = vector.load %arg1[%get3A, %get3A_0] : memref<160x128xf32, #tpu.memory_space<vmem>>, vector<80x128xf32>
    %get3A_2 = arith.constant 80 : index
    %get3A_3 = arith.constant 0 : index
    %get3A_4 = vector.load %arg1[%get3A_2, %get3A_3] : memref<160x128xf32, #tpu.memory_space<vmem>>, vector<80x128xf32>
    %add3A = arith.addf %get3A_1, %get3A_4 : vector<80x128xf32>
    %get3A_5 = arith.constant 0 : index
    %get3A_6 = arith.constant 0 : index
    %get3A_7 = vector.load %arg2[%get3A_5, %get3A_6] : memref<128x128xf32, #tpu.memory_space<vmem>>, vector<128x128xf32>
    %get3A_8 = arith.constant 0 : index
    %get3A_9 = arith.constant 0 : index
    %get3A_10 = vector.load %arg3[%get3A_8, %get3A_9] : memref<1x128xf32, #tpu.memory_space<vmem>>, vector<1x128xf32>
    %get3A_11 = arith.constant 0 : index
    %get3A_12 = arith.constant 0 : index
    %get3A_13 = vector.load %arg4[%get3A_11, %get3A_12] : memref<128x128xf32, #tpu.memory_space<vmem>>, vector<128x128xf32>
    %get3A_14 = arith.constant 0 : index
    %get3A_15 = arith.constant 0 : index
    %get3A_16 = vector.load %arg5[%get3A_14, %get3A_15] : memref<1x128xf32, #tpu.memory_space<vmem>>, vector<1x128xf32>
    %get3A_17 = arith.constant 0 : index
    %get3A_18 = arith.constant 0 : index
    %get3A_19 = vector.load %arg6[%get3A_17, %get3A_18] : memref<1x128xf32, #tpu.memory_space<vmem>>, vector<1x128xf32>
    %get3A_20 = arith.constant 0 : index
    %get3A_21 = arith.constant 0 : index
    %get3A_22 = vector.load %arg7[%get3A_20, %get3A_21] : memref<1x128xf32, #tpu.memory_space<vmem>>, vector<1x128xf32>
    %get3A_23 = arith.constant 0 : index
    %get3A_24 = arith.constant 0 : index
    %get3A_25 = vector.load %arg8[%get3A_23, %get3A_24] : memref<128x128xf32, #tpu.memory_space<vmem>>, vector<128x128xf32>
    %get3A_26 = arith.constant 0 : index
    %get3A_27 = arith.constant 0 : index
    %get3A_28 = vector.load %arg9[%get3A_26, %get3A_27] : memref<1x128xf32, #tpu.memory_space<vmem>>, vector<1x128xf32>
    %get3A_29 = arith.constant 0 : index
    %get3A_30 = arith.constant 0 : index
    %get3A_31 = vector.load %arg10[%get3A_29, %get3A_30] : memref<128x128xf32, #tpu.memory_space<vmem>>, vector<128x128xf32>
    %get3A_32 = arith.constant 0 : index
    %get3A_33 = arith.constant 0 : index
    %get3A_34 = vector.load %arg11[%get3A_32, %get3A_33] : memref<1x128xf32, #tpu.memory_space<vmem>>, vector<1x128xf32>
    %get3A_35 = arith.constant 0 : index
    %get3A_36 = arith.constant 0 : index
    %get3A_37 = vector.load %arg12[%get3A_35, %get3A_36] : memref<1x128xf32, #tpu.memory_space<vmem>>, vector<1x128xf32>
    %get3A_38 = arith.constant 0 : index
    %get3A_39 = arith.constant 0 : index
    %get3A_40 = vector.load %arg13[%get3A_38, %get3A_39] : memref<1x128xf32, #tpu.memory_space<vmem>>, vector<1x128xf32>
    %slice3A = vector.extract_strided_slice %add3A {offsets = [0, 0], sizes = [20, 128], strides = [1, 1]} : vector<80x128xf32> to vector<20x128xf32>
    %le3A = arith.constant 5.000000e-01 : f32
    %le3A_41 = vector.broadcast %le3A : f32 to vector<20x128xf32>
    %le3A_42 = arith.cmpf ole, %slice3A, %le3A_41 : vector<20x128xf32>
    %reduce_or3A = arith.constant 1.000000e+00 : f32
    %reduce_or3A_43 = arith.constant 0.000000e+00 : f32
    %reduce_or3A_44 = vector.broadcast %reduce_or3A : f32 to vector<20x128xf32>
    %reduce_or3A_45 = vector.broadcast %reduce_or3A_43 : f32 to vector<20x128xf32>
    %reduce_or3A_46 = arith.select %le3A_42, %reduce_or3A_44, %reduce_or3A_45 : vector<20x128xi1>, vector<20x128xf32>
    %reduce_or3A_47 = vector.shape_cast %reduce_or3A_46 : vector<20x128xf32> to vector<1x20x128xf32>
    %reduce_or3A_48 = arith.constant dense<0xFF800000> : vector<1xf32>
    %reduce_or3A_49 = vector.multi_reduction <maximumf>, %reduce_or3A_47, %reduce_or3A_48 [1, 2] : vector<1x20x128xf32> to vector<1xf32>
    %reduce_or3A_50 = vector.shape_cast %reduce_or3A_49 : vector<1xf32> to vector<1x1x1xf32>
    %reduce_or3A_51 = vector.extract %reduce_or3A_50[0, 0, 0] : f32 from vector<1x1x1xf32>
    %reduce_or3A_52 = arith.constant 0.000000e+00 : f32
    %reduce_or3A_53 = arith.cmpf ogt, %reduce_or3A_51, %reduce_or3A_52 : f32
    %convert_element_type3A = arith.extui %reduce_or3A_53 : i1 to i32
    %cond3A = arith.constant 0 : i32
    %cond3A_54 = arith.cmpi ne, %convert_element_type3A, %cond3A : i32
    scf.if %cond3A_54 {
      %dma_start3A = arith.constant 0 : i32
      %dma_start3A_112 = arith.constant 0 : i32
      %dma_start3A_113 = tpu.memref_slice %arg17[%dma_start3A, %dma_start3A_112] : memref<2560x128xf32, #tpu.memory_space<vmem>> -> memref<2560x128xf32, #tpu.memory_space<vmem>>
      %dma_start3A_114 = arith.constant 0 : i32
      %dma_start3A_115 = arith.constant 0 : i32
      %dma_start3A_116 = tpu.memref_slice %arg14[%dma_start3A_114, %dma_start3A_115] : memref<10000x128xf32, #tpu.memory_space<any>> -> memref<2560x128xf32, #tpu.memory_space<any>>
      tpu.enqueue_dma source(%dma_start3A_116 : memref<2560x128xf32, #tpu.memory_space<any>>) target(%dma_start3A_113 : memref<2560x128xf32, #tpu.memory_space<vmem>>) target_semaphore(%arg18 : memref<!tpu.dma_semaphore, #tpu.memory_space<semaphore_mem>>)
      %dma_wait3A = arith.constant 0 : i32
      %dma_wait3A_117 = arith.constant 0 : i32
      %dma_wait3A_118 = tpu.memref_slice %arg17[%dma_wait3A, %dma_wait3A_117] : memref<2560x128xf32, #tpu.memory_space<vmem>> -> memref<2560x128xf32, #tpu.memory_space<vmem>>
      %dma_wait3A_119 = arith.constant 0 : i32
      %dma_wait3A_120 = arith.constant 0 : i32
      %dma_wait3A_121 = tpu.memref_slice %arg14[%dma_wait3A_119, %dma_wait3A_120] : memref<10000x128xf32, #tpu.memory_space<any>> -> memref<2560x128xf32, #tpu.memory_space<any>>
      tpu.wait_dma2 semaphore(%arg18 : memref<!tpu.dma_semaphore, #tpu.memory_space<semaphore_mem>>) src(%dma_wait3A_121 : memref<2560x128xf32, #tpu.memory_space<any>>) dst(%dma_wait3A_118 : memref<2560x128xf32, #tpu.memory_space<vmem>>)
      %transpose3A = tpu.transpose %slice3A, [1, 0] : vector<20x128xf32> -> vector<128x20xf32>
      %slice3A_122 = vector.extract_strided_slice %transpose3A {offsets = [0, 0], sizes = [128, 1], strides = [1, 1]} : vector<128x20xf32> to vector<128x1xf32>
      %slice3A_123 = vector.extract_strided_slice %transpose3A {offsets = [0, 1], sizes = [128, 1], strides = [1, 1]} : vector<128x20xf32> to vector<128x1xf32>
      %slice3A_124 = vector.extract_strided_slice %transpose3A {offsets = [0, 2], sizes = [128, 1], strides = [1, 1]} : vector<128x20xf32> to vector<128x1xf32>
      %slice3A_125 = vector.extract_strided_slice %transpose3A {offsets = [0, 3], sizes = [128, 1], strides = [1, 1]} : vector<128x20xf32> to vector<128x1xf32>
      %slice3A_126 = vector.extract_strided_slice %transpose3A {offsets = [0, 4], sizes = [128, 1], strides = [1, 1]} : vector<128x20xf32> to vector<128x1xf32>
      %slice3A_127 = vector.extract_strided_slice %transpose3A {offsets = [0, 5], sizes = [128, 1], strides = [1, 1]} : vector<128x20xf32> to vector<128x1xf32>
      %slice3A_128 = vector.extract_strided_slice %transpose3A {offsets = [0, 6], sizes = [128, 1], strides = [1, 1]} : vector<128x20xf32> to vector<128x1xf32>
      %slice3A_129 = vector.extract_strided_slice %transpose3A {offsets = [0, 7], sizes = [128, 1], strides = [1, 1]} : vector<128x20xf32> to vector<128x1xf32>
      %slice3A_130 = vector.extract_strided_slice %transpose3A {offsets = [0, 8], sizes = [128, 1], strides = [1, 1]} : vector<128x20xf32> to vector<128x1xf32>
      %slice3A_131 = vector.extract_strided_slice %transpose3A {offsets = [0, 9], sizes = [128, 1], strides = [1, 1]} : vector<128x20xf32> to vector<128x1xf32>
      %slice3A_132 = vector.extract_strided_slice %transpose3A {offsets = [0, 10], sizes = [128, 1], strides = [1, 1]} : vector<128x20xf32> to vector<128x1xf32>
      %slice3A_133 = vector.extract_strided_slice %transpose3A {offsets = [0, 11], sizes = [128, 1], strides = [1, 1]} : vector<128x20xf32> to vector<128x1xf32>
      %slice3A_134 = vector.extract_strided_slice %transpose3A {offsets = [0, 12], sizes = [128, 1], strides = [1, 1]} : vector<128x20xf32> to vector<128x1xf32>
      %slice3A_135 = vector.extract_strided_slice %transpose3A {offsets = [0, 13], sizes = [128, 1], strides = [1, 1]} : vector<128x20xf32> to vector<128x1xf32>
      %slice3A_136 = vector.extract_strided_slice %transpose3A {offsets = [0, 14], sizes = [128, 1], strides = [1, 1]} : vector<128x20xf32> to vector<128x1xf32>
      %slice3A_137 = vector.extract_strided_slice %transpose3A {offsets = [0, 15], sizes = [128, 1], strides = [1, 1]} : vector<128x20xf32> to vector<128x1xf32>
      %slice3A_138 = vector.extract_strided_slice %transpose3A {offsets = [0, 16], sizes = [128, 1], strides = [1, 1]} : vector<128x20xf32> to vector<128x1xf32>
      %slice3A_139 = vector.extract_strided_slice %transpose3A {offsets = [0, 17], sizes = [128, 1], strides = [1, 1]} : vector<128x20xf32> to vector<128x1xf32>
      %slice3A_140 = vector.extract_strided_slice %transpose3A {offsets = [0, 18], sizes = [128, 1], strides = [1, 1]} : vector<128x20xf32> to vector<128x1xf32>
      %slice3A_141 = vector.extract_strided_slice %transpose3A {offsets = [0, 19], sizes = [128, 1], strides = [1, 1]} : vector<128x20xf32> to vector<128x1xf32>
      %concatenate3A = tpu.concatenate %slice3A_122, %slice3A_123, %slice3A_124, %slice3A_125, %slice3A_126, %slice3A_127, %slice3A_128, %slice3A_129, %slice3A_130, %slice3A_131, %slice3A_132, %slice3A_133, %slice3A_134, %slice3A_135, %slice3A_136, %slice3A_137, %slice3A_138, %slice3A_139, %slice3A_140, %slice3A_141 in 0 : vector<128x1xf32>, vector<128x1xf32>, vector<128x1xf32>, vector<128x1xf32>, vector<128x1xf32>, vector<128x1xf32>, vector<128x1xf32>, vector<128x1xf32>, vector<128x1xf32>, vector<128x1xf32>, vector<128x1xf32>, vector<128x1xf32>, vector<128x1xf32>, vector<128x1xf32>, vector<128x1xf32>, vector<128x1xf32>, vector<128x1xf32>, vector<128x1xf32>, vector<128x1xf32>, vector<128x1xf32> -> vector<2560x1xf32>
      %gt3A = arith.constant 5.000000e-01 : f32
      %gt3A_142 = vector.broadcast %gt3A : f32 to vector<2560x1xf32>
      %gt3A_143 = arith.cmpf ogt, %concatenate3A, %gt3A_142 : vector<2560x1xf32>
      %jit3A = arith.constant 1.000000e+00 : f32
      %jit3A_144 = arith.constant 0.000000e+00 : f32
      %broadcast_in_dim3A = vector.broadcast %jit3A : f32 to vector<2560x1xf32>
      %broadcast_in_dim3A_145 = vector.broadcast %jit3A_144 : f32 to vector<2560x1xf32>
      %select_n3A = arith.select %gt3A_143, %broadcast_in_dim3A, %broadcast_in_dim3A_145 : vector<2560x1xi1>, vector<2560x1xf32>
      %get3A_146 = arith.constant 0 : index
      %get3A_147 = arith.constant 0 : index
      %get3A_148 = vector.load %arg17[%get3A_146, %get3A_147] : memref<2560x128xf32, #tpu.memory_space<vmem>>, vector<2560x128xf32>
      %dot_general3A = arith.constant dense<0.000000e+00> : vector<2560x128xf32>
      %dot_general3A_149 = tpu.matmul %get3A_148, %get3A_7, %dot_general3A {dimension_numbers = #tpu.dot_dimension_numbers<[1], [1], [0], [0], [0, 0, 1, 0], [], []>, transpose_lhs_hint = false} : vector<2560x128xf32>, vector<128x128xf32>, vector<2560x128xf32> -> vector<2560x128xf32>
      %add3A_150 = vector.broadcast %get3A_10 : vector<1x128xf32> to vector<2560x128xf32>
      %add3A_151 = arith.addf %dot_general3A_149, %add3A_150 : vector<2560x128xf32>
      %mul3A = vector.broadcast %select_n3A : vector<2560x1xf32> to vector<2560x128xf32>
      %mul3A_152 = arith.mulf %add3A_151, %mul3A : vector<2560x128xf32>
      %dot_general3A_153 = arith.constant dense<0.000000e+00> : vector<2560x128xf32>
      %dot_general3A_154 = tpu.matmul %mul3A_152, %get3A_13, %dot_general3A_153 {dimension_numbers = #tpu.dot_dimension_numbers<[1], [1], [0], [0], [0, 0, 1, 0], [], []>, transpose_lhs_hint = false} : vector<2560x128xf32>, vector<128x128xf32>, vector<2560x128xf32> -> vector<2560x128xf32>
      %add3A_155 = vector.broadcast %get3A_16 : vector<1x128xf32> to vector<2560x128xf32>
      %add3A_156 = arith.addf %dot_general3A_154, %add3A_155 : vector<2560x128xf32>
      %add3A_157 = arith.addf %get3A_148, %add3A_156 : vector<2560x128xf32>
      %reduce_sum3A = arith.constant dense<0.000000e+00> : vector<2560xf32>
      %reduce_sum3A_158 = vector.multi_reduction <add>, %add3A_157, %reduce_sum3A [1] : vector<2560x128xf32> to vector<2560xf32>
      %broadcast_in_dim3A_159 = vector.shape_cast %reduce_sum3A_158 : vector<2560xf32> to vector<2560x1xf32>
      %div3A = arith.constant 1.280000e+02 : f32
      %div3A_160 = vector.broadcast %div3A : f32 to vector<2560x1xf32>
      %div3A_161 = arith.divf %broadcast_in_dim3A_159, %div3A_160 : vector<2560x1xf32>
      %jit3A_162 = arith.constant 0 : i32
      %reduce_sum3A_163 = arith.constant dense<0.000000e+00> : vector<2560xf32>
      %reduce_sum3A_164 = vector.multi_reduction <add>, %add3A_157, %reduce_sum3A_163 [1] : vector<2560x128xf32> to vector<2560xf32>
      %broadcast_in_dim3A_165 = vector.shape_cast %reduce_sum3A_164 : vector<2560xf32> to vector<2560x1xf32>
      %div3A_166 = arith.constant 1.280000e+02 : f32
      %div3A_167 = vector.broadcast %div3A_166 : f32 to vector<2560x1xf32>
      %div3A_168 = arith.divf %broadcast_in_dim3A_165, %div3A_167 : vector<2560x1xf32>
      %sub3A = vector.broadcast %div3A_168 : vector<2560x1xf32> to vector<2560x128xf32>
      %sub3A_169 = arith.subf %add3A_157, %sub3A : vector<2560x128xf32>
      %square3A = arith.mulf %sub3A_169, %sub3A_169 : vector<2560x128xf32>
      %convert_element_type3A_170 = arith.sitofp %jit3A_162 : i32 to f32
      %sub3A_171 = arith.constant 1.280000e+02 : f32
      %sub3A_172 = arith.subf %sub3A_171, %convert_element_type3A_170 : f32
      %reduce_sum3A_173 = arith.constant dense<0.000000e+00> : vector<2560xf32>
      %reduce_sum3A_174 = vector.multi_reduction <add>, %square3A, %reduce_sum3A_173 [1] : vector<2560x128xf32> to vector<2560xf32>
      %broadcast_in_dim3A_175 = vector.shape_cast %reduce_sum3A_174 : vector<2560xf32> to vector<2560x1xf32>
      %div3A_176 = vector.broadcast %sub3A_172 : f32 to vector<2560x1xf32>
      %div3A_177 = arith.divf %broadcast_in_dim3A_175, %div3A_176 : vector<2560x1xf32>
      %gt3A_178 = arith.constant 0.000000e+00 : f32
      %gt3A_179 = arith.cmpf ogt, %sub3A_172, %gt3A_178 : f32
      %jit3A_180 = arith.constant 0x7FC00000 : f32
      %broadcast_in_dim3A_181 = vector.broadcast %jit3A_180 : f32 to vector<2560x1xf32>
      %select_n3A_182 = arith.select %gt3A_179, %div3A_177, %broadcast_in_dim3A_181 : vector<2560x1xf32>
      %sub3A_183 = vector.broadcast %div3A_161 : vector<2560x1xf32> to vector<2560x128xf32>
      %sub3A_184 = arith.subf %add3A_157, %sub3A_183 : vector<2560x128xf32>
      %add3A_185 = arith.constant 9.99999974E-6 : f32
      %add3A_186 = vector.broadcast %add3A_185 : f32 to vector<2560x1xf32>
      %add3A_187 = arith.addf %select_n3A_182, %add3A_186 : vector<2560x1xf32>
      %sqrt3A = math.sqrt %add3A_187 : vector<2560x1xf32>
      %div3A_188 = vector.broadcast %sqrt3A : vector<2560x1xf32> to vector<2560x128xf32>
      %div3A_189 = arith.divf %sub3A_184, %div3A_188 : vector<2560x128xf32>
      %mul3A_190 = vector.broadcast %get3A_19 : vector<1x128xf32> to vector<2560x128xf32>
      %mul3A_191 = arith.mulf %div3A_189, %mul3A_190 : vector<2560x128xf32>
      %add3A_192 = vector.broadcast %get3A_22 : vector<1x128xf32> to vector<2560x128xf32>
      %add3A_193 = arith.addf %mul3A_191, %add3A_192 : vector<2560x128xf32>
      %dot_general3A_194 = arith.constant dense<0.000000e+00> : vector<2560x128xf32>
      %dot_general3A_195 = tpu.matmul %add3A_193, %get3A_25, %dot_general3A_194 {dimension_numbers = #tpu.dot_dimension_numbers<[1], [1], [0], [0], [0, 0, 1, 0], [], []>, transpose_lhs_hint = false} : vector<2560x128xf32>, vector<128x128xf32>, vector<2560x128xf32> -> vector<2560x128xf32>
      %add3A_196 = vector.broadcast %get3A_28 : vector<1x128xf32> to vector<2560x128xf32>
      %add3A_197 = arith.addf %dot_general3A_195, %add3A_196 : vector<2560x128xf32>
      %max3A = arith.constant 0.000000e+00 : f32
      %max3A_198 = vector.broadcast %max3A : f32 to vector<2560x128xf32>
      %max3A_199 = arith.maximumf %add3A_197, %max3A_198 : vector<2560x128xf32>
      %dot_general3A_200 = arith.constant dense<0.000000e+00> : vector<2560x128xf32>
      %dot_general3A_201 = tpu.matmul %max3A_199, %get3A_31, %dot_general3A_200 {dimension_numbers = #tpu.dot_dimension_numbers<[1], [1], [0], [0], [0, 0, 1, 0], [], []>, transpose_lhs_hint = false} : vector<2560x128xf32>, vector<128x128xf32>, vector<2560x128xf32> -> vector<2560x128xf32>
      %add3A_202 = vector.broadcast %get3A_34 : vector<1x128xf32> to vector<2560x128xf32>
      %add3A_203 = arith.addf %dot_general3A_201, %add3A_202 : vector<2560x128xf32>
      %add3A_204 = arith.addf %add3A_193, %add3A_203 : vector<2560x128xf32>
      %reduce_sum3A_205 = arith.constant dense<0.000000e+00> : vector<2560xf32>
      %reduce_sum3A_206 = vector.multi_reduction <add>, %add3A_204, %reduce_sum3A_205 [1] : vector<2560x128xf32> to vector<2560xf32>
      %broadcast_in_dim3A_207 = vector.shape_cast %reduce_sum3A_206 : vector<2560xf32> to vector<2560x1xf32>
      %div3A_208 = arith.constant 1.280000e+02 : f32
      %div3A_209 = vector.broadcast %div3A_208 : f32 to vector<2560x1xf32>
      %div3A_210 = arith.divf %broadcast_in_dim3A_207, %div3A_209 : vector<2560x1xf32>
      %jit3A_211 = arith.constant 0 : i32
      %reduce_sum3A_212 = arith.constant dense<0.000000e+00> : vector<2560xf32>
      %reduce_sum3A_213 = vector.multi_reduction <add>, %add3A_204, %reduce_sum3A_212 [1] : vector<2560x128xf32> to vector<2560xf32>
      %broadcast_in_dim3A_214 = vector.shape_cast %reduce_sum3A_213 : vector<2560xf32> to vector<2560x1xf32>
      %div3A_215 = arith.constant 1.280000e+02 : f32
      %div3A_216 = vector.broadcast %div3A_215 : f32 to vector<2560x1xf32>
      %div3A_217 = arith.divf %broadcast_in_dim3A_214, %div3A_216 : vector<2560x1xf32>
      %sub3A_218 = vector.broadcast %div3A_217 : vector<2560x1xf32> to vector<2560x128xf32>
      %sub3A_219 = arith.subf %add3A_204, %sub3A_218 : vector<2560x128xf32>
      %square3A_220 = arith.mulf %sub3A_219, %sub3A_219 : vector<2560x128xf32>
      %convert_element_type3A_221 = arith.sitofp %jit3A_211 : i32 to f32
      %sub3A_222 = arith.constant 1.280000e+02 : f32
      %sub3A_223 = arith.subf %sub3A_222, %convert_element_type3A_221 : f32
      %reduce_sum3A_224 = arith.constant dense<0.000000e+00> : vector<2560xf32>
      %reduce_sum3A_225 = vector.multi_reduction <add>, %square3A_220, %reduce_sum3A_224 [1] : vector<2560x128xf32> to vector<2560xf32>
      %broadcast_in_dim3A_226 = vector.shape_cast %reduce_sum3A_225 : vector<2560xf32> to vector<2560x1xf32>
      %div3A_227 = vector.broadcast %sub3A_223 : f32 to vector<2560x1xf32>
      %div3A_228 = arith.divf %broadcast_in_dim3A_226, %div3A_227 : vector<2560x1xf32>
      %gt3A_229 = arith.constant 0.000000e+00 : f32
      %gt3A_230 = arith.cmpf ogt, %sub3A_223, %gt3A_229 : f32
      %jit3A_231 = arith.constant 0x7FC00000 : f32
      %broadcast_in_dim3A_232 = vector.broadcast %jit3A_231 : f32 to vector<2560x1xf32>
      %select_n3A_233 = arith.select %gt3A_230, %div3A_228, %broadcast_in_dim3A_232 : vector<2560x1xf32>
      %sub3A_234 = vector.broadcast %div3A_210 : vector<2560x1xf32> to vector<2560x128xf32>
      %sub3A_235 = arith.subf %add3A_204, %sub3A_234 : vector<2560x128xf32>
      %add3A_236 = arith.constant 9.99999974E-6 : f32
      %add3A_237 = vector.broadcast %add3A_236 : f32 to vector<2560x1xf32>
      %add3A_238 = arith.addf %select_n3A_233, %add3A_237 : vector<2560x1xf32>
      %sqrt3A_239 = math.sqrt %add3A_238 : vector<2560x1xf32>
      %div3A_240 = vector.broadcast %sqrt3A_239 : vector<2560x1xf32> to vector<2560x128xf32>
      %div3A_241 = arith.divf %sub3A_235, %div3A_240 : vector<2560x128xf32>
      %mul3A_242 = vector.broadcast %get3A_37 : vector<1x128xf32> to vector<2560x128xf32>
      %mul3A_243 = arith.mulf %div3A_241, %mul3A_242 : vector<2560x128xf32>
      %add3A_244 = vector.broadcast %get3A_40 : vector<1x128xf32> to vector<2560x128xf32>
      %add3A_245 = arith.addf %mul3A_243, %add3A_244 : vector<2560x128xf32>
      %swap3A = arith.constant 0 : index
      %swap3A_246 = arith.constant 0 : index
      %swap3A_247 = vector.load %arg17[%swap3A, %swap3A_246] : memref<2560x128xf32, #tpu.memory_space<vmem>>, vector<2560x128xf32>
      tpu.vector_store %arg17[%swap3A, %swap3A_246], %add3A_245 {strides = array<i32>} : memref<2560x128xf32, #tpu.memory_space<vmem>>, vector<2560x128xf32>,
      %dma_start3A_248 = arith.constant 0 : i32
      %dma_start3A_249 = arith.constant 0 : i32
      %dma_start3A_250 = tpu.memref_slice %arg16[%dma_start3A_248, %dma_start3A_249] : memref<10000x128xf32, #tpu.memory_space<any>> -> memref<2560x128xf32, #tpu.memory_space<any>>
      %dma_start3A_251 = arith.constant 0 : i32
      %dma_start3A_252 = arith.constant 0 : i32
      %dma_start3A_253 = tpu.memref_slice %arg17[%dma_start3A_251, %dma_start3A_252] : memref<2560x128xf32, #tpu.memory_space<vmem>> -> memref<2560x128xf32, #tpu.memory_space<vmem>>
      tpu.enqueue_dma source(%dma_start3A_253 : memref<2560x128xf32, #tpu.memory_space<vmem>>) target(%dma_start3A_250 : memref<2560x128xf32, #tpu.memory_space<any>>) target_semaphore(%arg18 : memref<!tpu.dma_semaphore, #tpu.memory_space<semaphore_mem>>)
      %dma_wait3A_254 = arith.constant 0 : i32
      %dma_wait3A_255 = arith.constant 0 : i32
      %dma_wait3A_256 = tpu.memref_slice %arg16[%dma_wait3A_254, %dma_wait3A_255] : memref<10000x128xf32, #tpu.memory_space<any>> -> memref<2560x128xf32, #tpu.memory_space<any>>
      %dma_wait3A_257 = arith.constant 0 : i32
      %dma_wait3A_258 = arith.constant 0 : i32
      %dma_wait3A_259 = tpu.memref_slice %arg17[%dma_wait3A_257, %dma_wait3A_258] : memref<2560x128xf32, #tpu.memory_space<vmem>> -> memref<2560x128xf32, #tpu.memory_space<vmem>>
      tpu.wait_dma2 semaphore(%arg18 : memref<!tpu.dma_semaphore, #tpu.memory_space<semaphore_mem>>) src(%dma_wait3A_259 : memref<2560x128xf32, #tpu.memory_space<vmem>>) dst(%dma_wait3A_256 : memref<2560x128xf32, #tpu.memory_space<any>>)
    } else {
    }
    %slice3A_55 = vector.extract_strided_slice %add3A {offsets = [20, 0], sizes = [20, 128], strides = [1, 1]} : vector<80x128xf32> to vector<20x128xf32>
    %le3A_56 = arith.constant 5.000000e-01 : f32
    %le3A_57 = vector.broadcast %le3A_56 : f32 to vector<20x128xf32>
    %le3A_58 = arith.cmpf ole, %slice3A_55, %le3A_57 : vector<20x128xf32>
    %reduce_or3A_59 = arith.constant 1.000000e+00 : f32
    %reduce_or3A_60 = arith.constant 0.000000e+00 : f32
    %reduce_or3A_61 = vector.broadcast %reduce_or3A_59 : f32 to vector<20x128xf32>
    %reduce_or3A_62 = vector.broadcast %reduce_or3A_60 : f32 to vector<20x128xf32>
    %reduce_or3A_63 = arith.select %le3A_58, %reduce_or3A_61, %reduce_or3A_62 : vector<20x128xi1>, vector<20x128xf32>
    %reduce_or3A_64 = vector.shape_cast %reduce_or3A_63 : vector<20x128xf32> to vector<1x20x128xf32>
    %reduce_or3A_65 = arith.constant dense<0xFF800000> : vector<1xf32>
    %reduce_or3A_66 = vector.multi_reduction <maximumf>, %reduce_or3A_64, %reduce_or3A_65 [1, 2] : vector<1x20x128xf32> to vector<1xf32>
    %reduce_or3A_67 = vector.shape_cast %reduce_or3A_66 : vector<1xf32> to vector<1x1x1xf32>
    %reduce_or3A_68 = vector.extract %reduce_or3A_67[0, 0, 0] : f32 from vector<1x1x1xf32>
    %reduce_or3A_69 = arith.constant 0.000000e+00 : f32
    %reduce_or3A_70 = arith.cmpf ogt, %reduce_or3A_68, %reduce_or3A_69 : f32
    %convert_element_type3A_71 = arith.extui %reduce_or3A_70 : i1 to i32
    %cond3A_72 = arith.constant 0 : i32
    %cond3A_73 = arith.cmpi ne, %convert_element_type3A_71, %cond3A_72 : i32
    scf.if %cond3A_73 {
      %dma_start3A = arith.constant 0 : i32
      %dma_start3A_112 = arith.constant 0 : i32
      %dma_start3A_113 = tpu.memref_slice %arg17[%dma_start3A, %dma_start3A_112] : memref<2560x128xf32, #tpu.memory_space<vmem>> -> memref<2560x128xf32, #tpu.memory_space<vmem>>
      %dma_start3A_114 = arith.constant 2560 : i32
      %dma_start3A_115 = arith.constant 0 : i32
      %dma_start3A_116 = tpu.memref_slice %arg14[%dma_start3A_114, %dma_start3A_115] : memref<10000x128xf32, #tpu.memory_space<any>> -> memref<2560x128xf32, #tpu.memory_space<any>>
      tpu.enqueue_dma source(%dma_start3A_116 : memref<2560x128xf32, #tpu.memory_space<any>>) target(%dma_start3A_113 : memref<2560x128xf32, #tpu.memory_space<vmem>>) target_semaphore(%arg18 : memref<!tpu.dma_semaphore, #tpu.memory_space<semaphore_mem>>)
      %dma_wait3A = arith.constant 0 : i32
      %dma_wait3A_117 = arith.constant 0 : i32
      %dma_wait3A_118 = tpu.memref_slice %arg17[%dma_wait3A, %dma_wait3A_117] : memref<2560x128xf32, #tpu.memory_space<vmem>> -> memref<2560x128xf32, #tpu.memory_space<vmem>>
      %dma_wait3A_119 = arith.constant 2560 : i32
      %dma_wait3A_120 = arith.constant 0 : i32
      %dma_wait3A_121 = tpu.memref_slice %arg14[%dma_wait3A_119, %dma_wait3A_120] : memref<10000x128xf32, #tpu.memory_space<any>> -> memref<2560x128xf32, #tpu.memory_space<any>>
      tpu.wait_dma2 semaphore(%arg18 : memref<!tpu.dma_semaphore, #tpu.memory_space<semaphore_mem>>) src(%dma_wait3A_121 : memref<2560x128xf32, #tpu.memory_space<any>>) dst(%dma_wait3A_118 : memref<2560x128xf32, #tpu.memory_space<vmem>>)
      %transpose3A = tpu.transpose %slice3A_55, [1, 0] : vector<20x128xf32> -> vector<128x20xf32>
      %slice3A_122 = vector.extract_strided_slice %transpose3A {offsets = [0, 0], sizes = [128, 1], strides = [1, 1]} : vector<128x20xf32> to vector<128x1xf32>
      %slice3A_123 = vector.extract_strided_slice %transpose3A {offsets = [0, 1], sizes = [128, 1], strides = [1, 1]} : vector<128x20xf32> to vector<128x1xf32>
      %slice3A_124 = vector.extract_strided_slice %transpose3A {offsets = [0, 2], sizes = [128, 1], strides = [1, 1]} : vector<128x20xf32> to vector<128x1xf32>
      %slice3A_125 = vector.extract_strided_slice %transpose3A {offsets = [0, 3], sizes = [128, 1], strides = [1, 1]} : vector<128x20xf32> to vector<128x1xf32>
      %slice3A_126 = vector.extract_strided_slice %transpose3A {offsets = [0, 4], sizes = [128, 1], strides = [1, 1]} : vector<128x20xf32> to vector<128x1xf32>
      %slice3A_127 = vector.extract_strided_slice %transpose3A {offsets = [0, 5], sizes = [128, 1], strides = [1, 1]} : vector<128x20xf32> to vector<128x1xf32>
      %slice3A_128 = vector.extract_strided_slice %transpose3A {offsets = [0, 6], sizes = [128, 1], strides = [1, 1]} : vector<128x20xf32> to vector<128x1xf32>
      %slice3A_129 = vector.extract_strided_slice %transpose3A {offsets = [0, 7], sizes = [128, 1], strides = [1, 1]} : vector<128x20xf32> to vector<128x1xf32>
      %slice3A_130 = vector.extract_strided_slice %transpose3A {offsets = [0, 8], sizes = [128, 1], strides = [1, 1]} : vector<128x20xf32> to vector<128x1xf32>
      %slice3A_131 = vector.extract_strided_slice %transpose3A {offsets = [0, 9], sizes = [128, 1], strides = [1, 1]} : vector<128x20xf32> to vector<128x1xf32>
      %slice3A_132 = vector.extract_strided_slice %transpose3A {offsets = [0, 10], sizes = [128, 1], strides = [1, 1]} : vector<128x20xf32> to vector<128x1xf32>
      %slice3A_133 = vector.extract_strided_slice %transpose3A {offsets = [0, 11], sizes = [128, 1], strides = [1, 1]} : vector<128x20xf32> to vector<128x1xf32>
      %slice3A_134 = vector.extract_strided_slice %transpose3A {offsets = [0, 12], sizes = [128, 1], strides = [1, 1]} : vector<128x20xf32> to vector<128x1xf32>
      %slice3A_135 = vector.extract_strided_slice %transpose3A {offsets = [0, 13], sizes = [128, 1], strides = [1, 1]} : vector<128x20xf32> to vector<128x1xf32>
      %slice3A_136 = vector.extract_strided_slice %transpose3A {offsets = [0, 14], sizes = [128, 1], strides = [1, 1]} : vector<128x20xf32> to vector<128x1xf32>
      %slice3A_137 = vector.extract_strided_slice %transpose3A {offsets = [0, 15], sizes = [128, 1], strides = [1, 1]} : vector<128x20xf32> to vector<128x1xf32>
      %slice3A_138 = vector.extract_strided_slice %transpose3A {offsets = [0, 16], sizes = [128, 1], strides = [1, 1]} : vector<128x20xf32> to vector<128x1xf32>
      %slice3A_139 = vector.extract_strided_slice %transpose3A {offsets = [0, 17], sizes = [128, 1], strides = [1, 1]} : vector<128x20xf32> to vector<128x1xf32>
      %slice3A_140 = vector.extract_strided_slice %transpose3A {offsets = [0, 18], sizes = [128, 1], strides = [1, 1]} : vector<128x20xf32> to vector<128x1xf32>
      %slice3A_141 = vector.extract_strided_slice %transpose3A {offsets = [0, 19], sizes = [128, 1], strides = [1, 1]} : vector<128x20xf32> to vector<128x1xf32>
      %concatenate3A = tpu.concatenate %slice3A_122, %slice3A_123, %slice3A_124, %slice3A_125, %slice3A_126, %slice3A_127, %slice3A_128, %slice3A_129, %slice3A_130, %slice3A_131, %slice3A_132, %slice3A_133, %slice3A_134, %slice3A_135, %slice3A_136, %slice3A_137, %slice3A_138, %slice3A_139, %slice3A_140, %slice3A_141 in 0 : vector<128x1xf32>, vector<128x1xf32>, vector<128x1xf32>, vector<128x1xf32>, vector<128x1xf32>, vector<128x1xf32>, vector<128x1xf32>, vector<128x1xf32>, vector<128x1xf32>, vector<128x1xf32>, vector<128x1xf32>, vector<128x1xf32>, vector<128x1xf32>, vector<128x1xf32>, vector<128x1xf32>, vector<128x1xf32>, vector<128x1xf32>, vector<128x1xf32>, vector<128x1xf32>, vector<128x1xf32> -> vector<2560x1xf32>
      %gt3A = arith.constant 5.000000e-01 : f32
      %gt3A_142 = vector.broadcast %gt3A : f32 to vector<2560x1xf32>
      %gt3A_143 = arith.cmpf ogt, %concatenate3A, %gt3A_142 : vector<2560x1xf32>
      %jit3A = arith.constant 1.000000e+00 : f32
      %jit3A_144 = arith.constant 0.000000e+00 : f32
      %broadcast_in_dim3A = vector.broadcast %jit3A : f32 to vector<2560x1xf32>
      %broadcast_in_dim3A_145 = vector.broadcast %jit3A_144 : f32 to vector<2560x1xf32>
      %select_n3A = arith.select %gt3A_143, %broadcast_in_dim3A, %broadcast_in_dim3A_145 : vector<2560x1xi1>, vector<2560x1xf32>
      %get3A_146 = arith.constant 0 : index
      %get3A_147 = arith.constant 0 : index
      %get3A_148 = vector.load %arg17[%get3A_146, %get3A_147] : memref<2560x128xf32, #tpu.memory_space<vmem>>, vector<2560x128xf32>
      %dot_general3A = arith.constant dense<0.000000e+00> : vector<2560x128xf32>
      %dot_general3A_149 = tpu.matmul %get3A_148, %get3A_7, %dot_general3A {dimension_numbers = #tpu.dot_dimension_numbers<[1], [1], [0], [0], [0, 0, 1, 0], [], []>, transpose_lhs_hint = false} : vector<2560x128xf32>, vector<128x128xf32>, vector<2560x128xf32> -> vector<2560x128xf32>
      %add3A_150 = vector.broadcast %get3A_10 : vector<1x128xf32> to vector<2560x128xf32>
      %add3A_151 = arith.addf %dot_general3A_149, %add3A_150 : vector<2560x128xf32>
      %mul3A = vector.broadcast %select_n3A : vector<2560x1xf32> to vector<2560x128xf32>
      %mul3A_152 = arith.mulf %add3A_151, %mul3A : vector<2560x128xf32>
      %dot_general3A_153 = arith.constant dense<0.000000e+00> : vector<2560x128xf32>
      %dot_general3A_154 = tpu.matmul %mul3A_152, %get3A_13, %dot_general3A_153 {dimension_numbers = #tpu.dot_dimension_numbers<[1], [1], [0], [0], [0, 0, 1, 0], [], []>, transpose_lhs_hint = false} : vector<2560x128xf32>, vector<128x128xf32>, vector<2560x128xf32> -> vector<2560x128xf32>
      %add3A_155 = vector.broadcast %get3A_16 : vector<1x128xf32> to vector<2560x128xf32>
      %add3A_156 = arith.addf %dot_general3A_154, %add3A_155 : vector<2560x128xf32>
      %add3A_157 = arith.addf %get3A_148, %add3A_156 : vector<2560x128xf32>
      %reduce_sum3A = arith.constant dense<0.000000e+00> : vector<2560xf32>
      %reduce_sum3A_158 = vector.multi_reduction <add>, %add3A_157, %reduce_sum3A [1] : vector<2560x128xf32> to vector<2560xf32>
      %broadcast_in_dim3A_159 = vector.shape_cast %reduce_sum3A_158 : vector<2560xf32> to vector<2560x1xf32>
      %div3A = arith.constant 1.280000e+02 : f32
      %div3A_160 = vector.broadcast %div3A : f32 to vector<2560x1xf32>
      %div3A_161 = arith.divf %broadcast_in_dim3A_159, %div3A_160 : vector<2560x1xf32>
      %jit3A_162 = arith.constant 0 : i32
      %reduce_sum3A_163 = arith.constant dense<0.000000e+00> : vector<2560xf32>
      %reduce_sum3A_164 = vector.multi_reduction <add>, %add3A_157, %reduce_sum3A_163 [1] : vector<2560x128xf32> to vector<2560xf32>
      %broadcast_in_dim3A_165 = vector.shape_cast %reduce_sum3A_164 : vector<2560xf32> to vector<2560x1xf32>
      %div3A_166 = arith.constant 1.280000e+02 : f32
      %div3A_167 = vector.broadcast %div3A_166 : f32 to vector<2560x1xf32>
      %div3A_168 = arith.divf %broadcast_in_dim3A_165, %div3A_167 : vector<2560x1xf32>
      %sub3A = vector.broadcast %div3A_168 : vector<2560x1xf32> to vector<2560x128xf32>
      %sub3A_169 = arith.subf %add3A_157, %sub3A : vector<2560x128xf32>
      %square3A = arith.mulf %sub3A_169, %sub3A_169 : vector<2560x128xf32>
      %convert_element_type3A_170 = arith.sitofp %jit3A_162 : i32 to f32
      %sub3A_171 = arith.constant 1.280000e+02 : f32
      %sub3A_172 = arith.subf %sub3A_171, %convert_element_type3A_170 : f32
      %reduce_sum3A_173 = arith.constant dense<0.000000e+00> : vector<2560xf32>
      %reduce_sum3A_174 = vector.multi_reduction <add>, %square3A, %reduce_sum3A_173 [1] : vector<2560x128xf32> to vector<2560xf32>
      %broadcast_in_dim3A_175 = vector.shape_cast %reduce_sum3A_174 : vector<2560xf32> to vector<2560x1xf32>
      %div3A_176 = vector.broadcast %sub3A_172 : f32 to vector<2560x1xf32>
      %div3A_177 = arith.divf %broadcast_in_dim3A_175, %div3A_176 : vector<2560x1xf32>
      %gt3A_178 = arith.constant 0.000000e+00 : f32
      %gt3A_179 = arith.cmpf ogt, %sub3A_172, %gt3A_178 : f32
      %jit3A_180 = arith.constant 0x7FC00000 : f32
      %broadcast_in_dim3A_181 = vector.broadcast %jit3A_180 : f32 to vector<2560x1xf32>
      %select_n3A_182 = arith.select %gt3A_179, %div3A_177, %broadcast_in_dim3A_181 : vector<2560x1xf32>
      %sub3A_183 = vector.broadcast %div3A_161 : vector<2560x1xf32> to vector<2560x128xf32>
      %sub3A_184 = arith.subf %add3A_157, %sub3A_183 : vector<2560x128xf32>
      %add3A_185 = arith.constant 9.99999974E-6 : f32
      %add3A_186 = vector.broadcast %add3A_185 : f32 to vector<2560x1xf32>
      %add3A_187 = arith.addf %select_n3A_182, %add3A_186 : vector<2560x1xf32>
      %sqrt3A = math.sqrt %add3A_187 : vector<2560x1xf32>
      %div3A_188 = vector.broadcast %sqrt3A : vector<2560x1xf32> to vector<2560x128xf32>
      %div3A_189 = arith.divf %sub3A_184, %div3A_188 : vector<2560x128xf32>
      %mul3A_190 = vector.broadcast %get3A_19 : vector<1x128xf32> to vector<2560x128xf32>
      %mul3A_191 = arith.mulf %div3A_189, %mul3A_190 : vector<2560x128xf32>
      %add3A_192 = vector.broadcast %get3A_22 : vector<1x128xf32> to vector<2560x128xf32>
      %add3A_193 = arith.addf %mul3A_191, %add3A_192 : vector<2560x128xf32>
      %dot_general3A_194 = arith.constant dense<0.000000e+00> : vector<2560x128xf32>
      %dot_general3A_195 = tpu.matmul %add3A_193, %get3A_25, %dot_general3A_194 {dimension_numbers = #tpu.dot_dimension_numbers<[1], [1], [0], [0], [0, 0, 1, 0], [], []>, transpose_lhs_hint = false} : vector<2560x128xf32>, vector<128x128xf32>, vector<2560x128xf32> -> vector<2560x128xf32>
      %add3A_196 = vector.broadcast %get3A_28 : vector<1x128xf32> to vector<2560x128xf32>
      %add3A_197 = arith.addf %dot_general3A_195, %add3A_196 : vector<2560x128xf32>
      %max3A = arith.constant 0.000000e+00 : f32
      %max3A_198 = vector.broadcast %max3A : f32 to vector<2560x128xf32>
      %max3A_199 = arith.maximumf %add3A_197, %max3A_198 : vector<2560x128xf32>
      %dot_general3A_200 = arith.constant dense<0.000000e+00> : vector<2560x128xf32>
      %dot_general3A_201 = tpu.matmul %max3A_199, %get3A_31, %dot_general3A_200 {dimension_numbers = #tpu.dot_dimension_numbers<[1], [1], [0], [0], [0, 0, 1, 0], [], []>, transpose_lhs_hint = false} : vector<2560x128xf32>, vector<128x128xf32>, vector<2560x128xf32> -> vector<2560x128xf32>
      %add3A_202 = vector.broadcast %get3A_34 : vector<1x128xf32> to vector<2560x128xf32>
      %add3A_203 = arith.addf %dot_general3A_201, %add3A_202 : vector<2560x128xf32>
      %add3A_204 = arith.addf %add3A_193, %add3A_203 : vector<2560x128xf32>
      %reduce_sum3A_205 = arith.constant dense<0.000000e+00> : vector<2560xf32>
      %reduce_sum3A_206 = vector.multi_reduction <add>, %add3A_204, %reduce_sum3A_205 [1] : vector<2560x128xf32> to vector<2560xf32>
      %broadcast_in_dim3A_207 = vector.shape_cast %reduce_sum3A_206 : vector<2560xf32> to vector<2560x1xf32>
      %div3A_208 = arith.constant 1.280000e+02 : f32
      %div3A_209 = vector.broadcast %div3A_208 : f32 to vector<2560x1xf32>
      %div3A_210 = arith.divf %broadcast_in_dim3A_207, %div3A_209 : vector<2560x1xf32>
      %jit3A_211 = arith.constant 0 : i32
      %reduce_sum3A_212 = arith.constant dense<0.000000e+00> : vector<2560xf32>
      %reduce_sum3A_213 = vector.multi_reduction <add>, %add3A_204, %reduce_sum3A_212 [1] : vector<2560x128xf32> to vector<2560xf32>
      %broadcast_in_dim3A_214 = vector.shape_cast %reduce_sum3A_213 : vector<2560xf32> to vector<2560x1xf32>
      %div3A_215 = arith.constant 1.280000e+02 : f32
      %div3A_216 = vector.broadcast %div3A_215 : f32 to vector<2560x1xf32>
      %div3A_217 = arith.divf %broadcast_in_dim3A_214, %div3A_216 : vector<2560x1xf32>
      %sub3A_218 = vector.broadcast %div3A_217 : vector<2560x1xf32> to vector<2560x128xf32>
      %sub3A_219 = arith.subf %add3A_204, %sub3A_218 : vector<2560x128xf32>
      %square3A_220 = arith.mulf %sub3A_219, %sub3A_219 : vector<2560x128xf32>
      %convert_element_type3A_221 = arith.sitofp %jit3A_211 : i32 to f32
      %sub3A_222 = arith.constant 1.280000e+02 : f32
      %sub3A_223 = arith.subf %sub3A_222, %convert_element_type3A_221 : f32
      %reduce_sum3A_224 = arith.constant dense<0.000000e+00> : vector<2560xf32>
      %reduce_sum3A_225 = vector.multi_reduction <add>, %square3A_220, %reduce_sum3A_224 [1] : vector<2560x128xf32> to vector<2560xf32>
      %broadcast_in_dim3A_226 = vector.shape_cast %reduce_sum3A_225 : vector<2560xf32> to vector<2560x1xf32>
      %div3A_227 = vector.broadcast %sub3A_223 : f32 to vector<2560x1xf32>
      %div3A_228 = arith.divf %broadcast_in_dim3A_226, %div3A_227 : vector<2560x1xf32>
      %gt3A_229 = arith.constant 0.000000e+00 : f32
      %gt3A_230 = arith.cmpf ogt, %sub3A_223, %gt3A_229 : f32
      %jit3A_231 = arith.constant 0x7FC00000 : f32
      %broadcast_in_dim3A_232 = vector.broadcast %jit3A_231 : f32 to vector<2560x1xf32>
      %select_n3A_233 = arith.select %gt3A_230, %div3A_228, %broadcast_in_dim3A_232 : vector<2560x1xf32>
      %sub3A_234 = vector.broadcast %div3A_210 : vector<2560x1xf32> to vector<2560x128xf32>
      %sub3A_235 = arith.subf %add3A_204, %sub3A_234 : vector<2560x128xf32>
      %add3A_236 = arith.constant 9.99999974E-6 : f32
      %add3A_237 = vector.broadcast %add3A_236 : f32 to vector<2560x1xf32>
      %add3A_238 = arith.addf %select_n3A_233, %add3A_237 : vector<2560x1xf32>
      %sqrt3A_239 = math.sqrt %add3A_238 : vector<2560x1xf32>
      %div3A_240 = vector.broadcast %sqrt3A_239 : vector<2560x1xf32> to vector<2560x128xf32>
      %div3A_241 = arith.divf %sub3A_235, %div3A_240 : vector<2560x128xf32>
      %mul3A_242 = vector.broadcast %get3A_37 : vector<1x128xf32> to vector<2560x128xf32>
      %mul3A_243 = arith.mulf %div3A_241, %mul3A_242 : vector<2560x128xf32>
      %add3A_244 = vector.broadcast %get3A_40 : vector<1x128xf32> to vector<2560x128xf32>
      %add3A_245 = arith.addf %mul3A_243, %add3A_244 : vector<2560x128xf32>
      %swap3A = arith.constant 0 : index
      %swap3A_246 = arith.constant 0 : index
      %swap3A_247 = vector.load %arg17[%swap3A, %swap3A_246] : memref<2560x128xf32, #tpu.memory_space<vmem>>, vector<2560x128xf32>
      tpu.vector_store %arg17[%swap3A, %swap3A_246], %add3A_245 {strides = array<i32>} : memref<2560x128xf32, #tpu.memory_space<vmem>>, vector<2560x128xf32>,
      %dma_start3A_248 = arith.constant 2560 : i32
      %dma_start3A_249 = arith.constant 0 : i32
      %dma_start3A_250 = tpu.memref_slice %arg16[%dma_start3A_248, %dma_start3A_249] : memref<10000x128xf32, #tpu.memory_space<any>> -> memref<2560x128xf32, #tpu.memory_space<any>>
      %dma_start3A_251 = arith.constant 0 : i32
      %dma_start3A_252 = arith.constant 0 : i32
      %dma_start3A_253 = tpu.memref_slice %arg17[%dma_start3A_251, %dma_start3A_252] : memref<2560x128xf32, #tpu.memory_space<vmem>> -> memref<2560x128xf32, #tpu.memory_space<vmem>>
      tpu.enqueue_dma source(%dma_start3A_253 : memref<2560x128xf32, #tpu.memory_space<vmem>>) target(%dma_start3A_250 : memref<2560x128xf32, #tpu.memory_space<any>>) target_semaphore(%arg18 : memref<!tpu.dma_semaphore, #tpu.memory_space<semaphore_mem>>)
      %dma_wait3A_254 = arith.constant 2560 : i32
      %dma_wait3A_255 = arith.constant 0 : i32
      %dma_wait3A_256 = tpu.memref_slice %arg16[%dma_wait3A_254, %dma_wait3A_255] : memref<10000x128xf32, #tpu.memory_space<any>> -> memref<2560x128xf32, #tpu.memory_space<any>>
      %dma_wait3A_257 = arith.constant 0 : i32
      %dma_wait3A_258 = arith.constant 0 : i32
      %dma_wait3A_259 = tpu.memref_slice %arg17[%dma_wait3A_257, %dma_wait3A_258] : memref<2560x128xf32, #tpu.memory_space<vmem>> -> memref<2560x128xf32, #tpu.memory_space<vmem>>
      tpu.wait_dma2 semaphore(%arg18 : memref<!tpu.dma_semaphore, #tpu.memory_space<semaphore_mem>>) src(%dma_wait3A_259 : memref<2560x128xf32, #tpu.memory_space<vmem>>) dst(%dma_wait3A_256 : memref<2560x128xf32, #tpu.memory_space<any>>)
    } else {
    }
    %slice3A_74 = vector.extract_strided_slice %add3A {offsets = [40, 0], sizes = [20, 128], strides = [1, 1]} : vector<80x128xf32> to vector<20x128xf32>
    %le3A_75 = arith.constant 5.000000e-01 : f32
    %le3A_76 = vector.broadcast %le3A_75 : f32 to vector<20x128xf32>
    %le3A_77 = arith.cmpf ole, %slice3A_74, %le3A_76 : vector<20x128xf32>
    %reduce_or3A_78 = arith.constant 1.000000e+00 : f32
    %reduce_or3A_79 = arith.constant 0.000000e+00 : f32
    %reduce_or3A_80 = vector.broadcast %reduce_or3A_78 : f32 to vector<20x128xf32>
    %reduce_or3A_81 = vector.broadcast %reduce_or3A_79 : f32 to vector<20x128xf32>
    %reduce_or3A_82 = arith.select %le3A_77, %reduce_or3A_80, %reduce_or3A_81 : vector<20x128xi1>, vector<20x128xf32>
    %reduce_or3A_83 = vector.shape_cast %reduce_or3A_82 : vector<20x128xf32> to vector<1x20x128xf32>
    %reduce_or3A_84 = arith.constant dense<0xFF800000> : vector<1xf32>
    %reduce_or3A_85 = vector.multi_reduction <maximumf>, %reduce_or3A_83, %reduce_or3A_84 [1, 2] : vector<1x20x128xf32> to vector<1xf32>
    %reduce_or3A_86 = vector.shape_cast %reduce_or3A_85 : vector<1xf32> to vector<1x1x1xf32>
    %reduce_or3A_87 = vector.extract %reduce_or3A_86[0, 0, 0] : f32 from vector<1x1x1xf32>
    %reduce_or3A_88 = arith.constant 0.000000e+00 : f32
    %reduce_or3A_89 = arith.cmpf ogt, %reduce_or3A_87, %reduce_or3A_88 : f32
    %convert_element_type3A_90 = arith.extui %reduce_or3A_89 : i1 to i32
    %cond3A_91 = arith.constant 0 : i32
    %cond3A_92 = arith.cmpi ne, %convert_element_type3A_90, %cond3A_91 : i32
    scf.if %cond3A_92 {
      %dma_start3A = arith.constant 0 : i32
      %dma_start3A_112 = arith.constant 0 : i32
      %dma_start3A_113 = tpu.memref_slice %arg17[%dma_start3A, %dma_start3A_112] : memref<2560x128xf32, #tpu.memory_space<vmem>> -> memref<2560x128xf32, #tpu.memory_space<vmem>>
      %dma_start3A_114 = arith.constant 5120 : i32
      %dma_start3A_115 = arith.constant 0 : i32
      %dma_start3A_116 = tpu.memref_slice %arg14[%dma_start3A_114, %dma_start3A_115] : memref<10000x128xf32, #tpu.memory_space<any>> -> memref<2560x128xf32, #tpu.memory_space<any>>
      tpu.enqueue_dma source(%dma_start3A_116 : memref<2560x128xf32, #tpu.memory_space<any>>) target(%dma_start3A_113 : memref<2560x128xf32, #tpu.memory_space<vmem>>) target_semaphore(%arg18 : memref<!tpu.dma_semaphore, #tpu.memory_space<semaphore_mem>>)
      %dma_wait3A = arith.constant 0 : i32
      %dma_wait3A_117 = arith.constant 0 : i32
      %dma_wait3A_118 = tpu.memref_slice %arg17[%dma_wait3A, %dma_wait3A_117] : memref<2560x128xf32, #tpu.memory_space<vmem>> -> memref<2560x128xf32, #tpu.memory_space<vmem>>
      %dma_wait3A_119 = arith.constant 5120 : i32
      %dma_wait3A_120 = arith.constant 0 : i32
      %dma_wait3A_121 = tpu.memref_slice %arg14[%dma_wait3A_119, %dma_wait3A_120] : memref<10000x128xf32, #tpu.memory_space<any>> -> memref<2560x128xf32, #tpu.memory_space<any>>
      tpu.wait_dma2 semaphore(%arg18 : memref<!tpu.dma_semaphore, #tpu.memory_space<semaphore_mem>>) src(%dma_wait3A_121 : memref<2560x128xf32, #tpu.memory_space<any>>) dst(%dma_wait3A_118 : memref<2560x128xf32, #tpu.memory_space<vmem>>)
      %transpose3A = tpu.transpose %slice3A_74, [1, 0] : vector<20x128xf32> -> vector<128x20xf32>
      %slice3A_122 = vector.extract_strided_slice %transpose3A {offsets = [0, 0], sizes = [128, 1], strides = [1, 1]} : vector<128x20xf32> to vector<128x1xf32>
      %slice3A_123 = vector.extract_strided_slice %transpose3A {offsets = [0, 1], sizes = [128, 1], strides = [1, 1]} : vector<128x20xf32> to vector<128x1xf32>
      %slice3A_124 = vector.extract_strided_slice %transpose3A {offsets = [0, 2], sizes = [128, 1], strides = [1, 1]} : vector<128x20xf32> to vector<128x1xf32>
      %slice3A_125 = vector.extract_strided_slice %transpose3A {offsets = [0, 3], sizes = [128, 1], strides = [1, 1]} : vector<128x20xf32> to vector<128x1xf32>
      %slice3A_126 = vector.extract_strided_slice %transpose3A {offsets = [0, 4], sizes = [128, 1], strides = [1, 1]} : vector<128x20xf32> to vector<128x1xf32>
      %slice3A_127 = vector.extract_strided_slice %transpose3A {offsets = [0, 5], sizes = [128, 1], strides = [1, 1]} : vector<128x20xf32> to vector<128x1xf32>
      %slice3A_128 = vector.extract_strided_slice %transpose3A {offsets = [0, 6], sizes = [128, 1], strides = [1, 1]} : vector<128x20xf32> to vector<128x1xf32>
      %slice3A_129 = vector.extract_strided_slice %transpose3A {offsets = [0, 7], sizes = [128, 1], strides = [1, 1]} : vector<128x20xf32> to vector<128x1xf32>
      %slice3A_130 = vector.extract_strided_slice %transpose3A {offsets = [0, 8], sizes = [128, 1], strides = [1, 1]} : vector<128x20xf32> to vector<128x1xf32>
      %slice3A_131 = vector.extract_strided_slice %transpose3A {offsets = [0, 9], sizes = [128, 1], strides = [1, 1]} : vector<128x20xf32> to vector<128x1xf32>
      %slice3A_132 = vector.extract_strided_slice %transpose3A {offsets = [0, 10], sizes = [128, 1], strides = [1, 1]} : vector<128x20xf32> to vector<128x1xf32>
      %slice3A_133 = vector.extract_strided_slice %transpose3A {offsets = [0, 11], sizes = [128, 1], strides = [1, 1]} : vector<128x20xf32> to vector<128x1xf32>
      %slice3A_134 = vector.extract_strided_slice %transpose3A {offsets = [0, 12], sizes = [128, 1], strides = [1, 1]} : vector<128x20xf32> to vector<128x1xf32>
      %slice3A_135 = vector.extract_strided_slice %transpose3A {offsets = [0, 13], sizes = [128, 1], strides = [1, 1]} : vector<128x20xf32> to vector<128x1xf32>
      %slice3A_136 = vector.extract_strided_slice %transpose3A {offsets = [0, 14], sizes = [128, 1], strides = [1, 1]} : vector<128x20xf32> to vector<128x1xf32>
      %slice3A_137 = vector.extract_strided_slice %transpose3A {offsets = [0, 15], sizes = [128, 1], strides = [1, 1]} : vector<128x20xf32> to vector<128x1xf32>
      %slice3A_138 = vector.extract_strided_slice %transpose3A {offsets = [0, 16], sizes = [128, 1], strides = [1, 1]} : vector<128x20xf32> to vector<128x1xf32>
      %slice3A_139 = vector.extract_strided_slice %transpose3A {offsets = [0, 17], sizes = [128, 1], strides = [1, 1]} : vector<128x20xf32> to vector<128x1xf32>
      %slice3A_140 = vector.extract_strided_slice %transpose3A {offsets = [0, 18], sizes = [128, 1], strides = [1, 1]} : vector<128x20xf32> to vector<128x1xf32>
      %slice3A_141 = vector.extract_strided_slice %transpose3A {offsets = [0, 19], sizes = [128, 1], strides = [1, 1]} : vector<128x20xf32> to vector<128x1xf32>
      %concatenate3A = tpu.concatenate %slice3A_122, %slice3A_123, %slice3A_124, %slice3A_125, %slice3A_126, %slice3A_127, %slice3A_128, %slice3A_129, %slice3A_130, %slice3A_131, %slice3A_132, %slice3A_133, %slice3A_134, %slice3A_135, %slice3A_136, %slice3A_137, %slice3A_138, %slice3A_139, %slice3A_140, %slice3A_141 in 0 : vector<128x1xf32>, vector<128x1xf32>, vector<128x1xf32>, vector<128x1xf32>, vector<128x1xf32>, vector<128x1xf32>, vector<128x1xf32>, vector<128x1xf32>, vector<128x1xf32>, vector<128x1xf32>, vector<128x1xf32>, vector<128x1xf32>, vector<128x1xf32>, vector<128x1xf32>, vector<128x1xf32>, vector<128x1xf32>, vector<128x1xf32>, vector<128x1xf32>, vector<128x1xf32>, vector<128x1xf32> -> vector<2560x1xf32>
      %gt3A = arith.constant 5.000000e-01 : f32
      %gt3A_142 = vector.broadcast %gt3A : f32 to vector<2560x1xf32>
      %gt3A_143 = arith.cmpf ogt, %concatenate3A, %gt3A_142 : vector<2560x1xf32>
      %jit3A = arith.constant 1.000000e+00 : f32
      %jit3A_144 = arith.constant 0.000000e+00 : f32
      %broadcast_in_dim3A = vector.broadcast %jit3A : f32 to vector<2560x1xf32>
      %broadcast_in_dim3A_145 = vector.broadcast %jit3A_144 : f32 to vector<2560x1xf32>
      %select_n3A = arith.select %gt3A_143, %broadcast_in_dim3A, %broadcast_in_dim3A_145 : vector<2560x1xi1>, vector<2560x1xf32>
      %get3A_146 = arith.constant 0 : index
      %get3A_147 = arith.constant 0 : index
      %get3A_148 = vector.load %arg17[%get3A_146, %get3A_147] : memref<2560x128xf32, #tpu.memory_space<vmem>>, vector<2560x128xf32>
      %dot_general3A = arith.constant dense<0.000000e+00> : vector<2560x128xf32>
      %dot_general3A_149 = tpu.matmul %get3A_148, %get3A_7, %dot_general3A {dimension_numbers = #tpu.dot_dimension_numbers<[1], [1], [0], [0], [0, 0, 1, 0], [], []>, transpose_lhs_hint = false} : vector<2560x128xf32>, vector<128x128xf32>, vector<2560x128xf32> -> vector<2560x128xf32>
      %add3A_150 = vector.broadcast %get3A_10 : vector<1x128xf32> to vector<2560x128xf32>
      %add3A_151 = arith.addf %dot_general3A_149, %add3A_150 : vector<2560x128xf32>
      %mul3A = vector.broadcast %select_n3A : vector<2560x1xf32> to vector<2560x128xf32>
      %mul3A_152 = arith.mulf %add3A_151, %mul3A : vector<2560x128xf32>
      %dot_general3A_153 = arith.constant dense<0.000000e+00> : vector<2560x128xf32>
      %dot_general3A_154 = tpu.matmul %mul3A_152, %get3A_13, %dot_general3A_153 {dimension_numbers = #tpu.dot_dimension_numbers<[1], [1], [0], [0], [0, 0, 1, 0], [], []>, transpose_lhs_hint = false} : vector<2560x128xf32>, vector<128x128xf32>, vector<2560x128xf32> -> vector<2560x128xf32>
      %add3A_155 = vector.broadcast %get3A_16 : vector<1x128xf32> to vector<2560x128xf32>
      %add3A_156 = arith.addf %dot_general3A_154, %add3A_155 : vector<2560x128xf32>
      %add3A_157 = arith.addf %get3A_148, %add3A_156 : vector<2560x128xf32>
      %reduce_sum3A = arith.constant dense<0.000000e+00> : vector<2560xf32>
      %reduce_sum3A_158 = vector.multi_reduction <add>, %add3A_157, %reduce_sum3A [1] : vector<2560x128xf32> to vector<2560xf32>
      %broadcast_in_dim3A_159 = vector.shape_cast %reduce_sum3A_158 : vector<2560xf32> to vector<2560x1xf32>
      %div3A = arith.constant 1.280000e+02 : f32
      %div3A_160 = vector.broadcast %div3A : f32 to vector<2560x1xf32>
      %div3A_161 = arith.divf %broadcast_in_dim3A_159, %div3A_160 : vector<2560x1xf32>
      %jit3A_162 = arith.constant 0 : i32
      %reduce_sum3A_163 = arith.constant dense<0.000000e+00> : vector<2560xf32>
      %reduce_sum3A_164 = vector.multi_reduction <add>, %add3A_157, %reduce_sum3A_163 [1] : vector<2560x128xf32> to vector<2560xf32>
      %broadcast_in_dim3A_165 = vector.shape_cast %reduce_sum3A_164 : vector<2560xf32> to vector<2560x1xf32>
      %div3A_166 = arith.constant 1.280000e+02 : f32
      %div3A_167 = vector.broadcast %div3A_166 : f32 to vector<2560x1xf32>
      %div3A_168 = arith.divf %broadcast_in_dim3A_165, %div3A_167 : vector<2560x1xf32>
      %sub3A = vector.broadcast %div3A_168 : vector<2560x1xf32> to vector<2560x128xf32>
      %sub3A_169 = arith.subf %add3A_157, %sub3A : vector<2560x128xf32>
      %square3A = arith.mulf %sub3A_169, %sub3A_169 : vector<2560x128xf32>
      %convert_element_type3A_170 = arith.sitofp %jit3A_162 : i32 to f32
      %sub3A_171 = arith.constant 1.280000e+02 : f32
      %sub3A_172 = arith.subf %sub3A_171, %convert_element_type3A_170 : f32
      %reduce_sum3A_173 = arith.constant dense<0.000000e+00> : vector<2560xf32>
      %reduce_sum3A_174 = vector.multi_reduction <add>, %square3A, %reduce_sum3A_173 [1] : vector<2560x128xf32> to vector<2560xf32>
      %broadcast_in_dim3A_175 = vector.shape_cast %reduce_sum3A_174 : vector<2560xf32> to vector<2560x1xf32>
      %div3A_176 = vector.broadcast %sub3A_172 : f32 to vector<2560x1xf32>
      %div3A_177 = arith.divf %broadcast_in_dim3A_175, %div3A_176 : vector<2560x1xf32>
      %gt3A_178 = arith.constant 0.000000e+00 : f32
      %gt3A_179 = arith.cmpf ogt, %sub3A_172, %gt3A_178 : f32
      %jit3A_180 = arith.constant 0x7FC00000 : f32
      %broadcast_in_dim3A_181 = vector.broadcast %jit3A_180 : f32 to vector<2560x1xf32>
      %select_n3A_182 = arith.select %gt3A_179, %div3A_177, %broadcast_in_dim3A_181 : vector<2560x1xf32>
      %sub3A_183 = vector.broadcast %div3A_161 : vector<2560x1xf32> to vector<2560x128xf32>
      %sub3A_184 = arith.subf %add3A_157, %sub3A_183 : vector<2560x128xf32>
      %add3A_185 = arith.constant 9.99999974E-6 : f32
      %add3A_186 = vector.broadcast %add3A_185 : f32 to vector<2560x1xf32>
      %add3A_187 = arith.addf %select_n3A_182, %add3A_186 : vector<2560x1xf32>
      %sqrt3A = math.sqrt %add3A_187 : vector<2560x1xf32>
      %div3A_188 = vector.broadcast %sqrt3A : vector<2560x1xf32> to vector<2560x128xf32>
      %div3A_189 = arith.divf %sub3A_184, %div3A_188 : vector<2560x128xf32>
      %mul3A_190 = vector.broadcast %get3A_19 : vector<1x128xf32> to vector<2560x128xf32>
      %mul3A_191 = arith.mulf %div3A_189, %mul3A_190 : vector<2560x128xf32>
      %add3A_192 = vector.broadcast %get3A_22 : vector<1x128xf32> to vector<2560x128xf32>
      %add3A_193 = arith.addf %mul3A_191, %add3A_192 : vector<2560x128xf32>
      %dot_general3A_194 = arith.constant dense<0.000000e+00> : vector<2560x128xf32>
      %dot_general3A_195 = tpu.matmul %add3A_193, %get3A_25, %dot_general3A_194 {dimension_numbers = #tpu.dot_dimension_numbers<[1], [1], [0], [0], [0, 0, 1, 0], [], []>, transpose_lhs_hint = false} : vector<2560x128xf32>, vector<128x128xf32>, vector<2560x128xf32> -> vector<2560x128xf32>
      %add3A_196 = vector.broadcast %get3A_28 : vector<1x128xf32> to vector<2560x128xf32>
      %add3A_197 = arith.addf %dot_general3A_195, %add3A_196 : vector<2560x128xf32>
      %max3A = arith.constant 0.000000e+00 : f32
      %max3A_198 = vector.broadcast %max3A : f32 to vector<2560x128xf32>
      %max3A_199 = arith.maximumf %add3A_197, %max3A_198 : vector<2560x128xf32>
      %dot_general3A_200 = arith.constant dense<0.000000e+00> : vector<2560x128xf32>
      %dot_general3A_201 = tpu.matmul %max3A_199, %get3A_31, %dot_general3A_200 {dimension_numbers = #tpu.dot_dimension_numbers<[1], [1], [0], [0], [0, 0, 1, 0], [], []>, transpose_lhs_hint = false} : vector<2560x128xf32>, vector<128x128xf32>, vector<2560x128xf32> -> vector<2560x128xf32>
      %add3A_202 = vector.broadcast %get3A_34 : vector<1x128xf32> to vector<2560x128xf32>
      %add3A_203 = arith.addf %dot_general3A_201, %add3A_202 : vector<2560x128xf32>
      %add3A_204 = arith.addf %add3A_193, %add3A_203 : vector<2560x128xf32>
      %reduce_sum3A_205 = arith.constant dense<0.000000e+00> : vector<2560xf32>
      %reduce_sum3A_206 = vector.multi_reduction <add>, %add3A_204, %reduce_sum3A_205 [1] : vector<2560x128xf32> to vector<2560xf32>
      %broadcast_in_dim3A_207 = vector.shape_cast %reduce_sum3A_206 : vector<2560xf32> to vector<2560x1xf32>
      %div3A_208 = arith.constant 1.280000e+02 : f32
      %div3A_209 = vector.broadcast %div3A_208 : f32 to vector<2560x1xf32>
      %div3A_210 = arith.divf %broadcast_in_dim3A_207, %div3A_209 : vector<2560x1xf32>
      %jit3A_211 = arith.constant 0 : i32
      %reduce_sum3A_212 = arith.constant dense<0.000000e+00> : vector<2560xf32>
      %reduce_sum3A_213 = vector.multi_reduction <add>, %add3A_204, %reduce_sum3A_212 [1] : vector<2560x128xf32> to vector<2560xf32>
      %broadcast_in_dim3A_214 = vector.shape_cast %reduce_sum3A_213 : vector<2560xf32> to vector<2560x1xf32>
      %div3A_215 = arith.constant 1.280000e+02 : f32
      %div3A_216 = vector.broadcast %div3A_215 : f32 to vector<2560x1xf32>
      %div3A_217 = arith.divf %broadcast_in_dim3A_214, %div3A_216 : vector<2560x1xf32>
      %sub3A_218 = vector.broadcast %div3A_217 : vector<2560x1xf32> to vector<2560x128xf32>
      %sub3A_219 = arith.subf %add3A_204, %sub3A_218 : vector<2560x128xf32>
      %square3A_220 = arith.mulf %sub3A_219, %sub3A_219 : vector<2560x128xf32>
      %convert_element_type3A_221 = arith.sitofp %jit3A_211 : i32 to f32
      %sub3A_222 = arith.constant 1.280000e+02 : f32
      %sub3A_223 = arith.subf %sub3A_222, %convert_element_type3A_221 : f32
      %reduce_sum3A_224 = arith.constant dense<0.000000e+00> : vector<2560xf32>
      %reduce_sum3A_225 = vector.multi_reduction <add>, %square3A_220, %reduce_sum3A_224 [1] : vector<2560x128xf32> to vector<2560xf32>
      %broadcast_in_dim3A_226 = vector.shape_cast %reduce_sum3A_225 : vector<2560xf32> to vector<2560x1xf32>
      %div3A_227 = vector.broadcast %sub3A_223 : f32 to vector<2560x1xf32>
      %div3A_228 = arith.divf %broadcast_in_dim3A_226, %div3A_227 : vector<2560x1xf32>
      %gt3A_229 = arith.constant 0.000000e+00 : f32
      %gt3A_230 = arith.cmpf ogt, %sub3A_223, %gt3A_229 : f32
      %jit3A_231 = arith.constant 0x7FC00000 : f32
      %broadcast_in_dim3A_232 = vector.broadcast %jit3A_231 : f32 to vector<2560x1xf32>
      %select_n3A_233 = arith.select %gt3A_230, %div3A_228, %broadcast_in_dim3A_232 : vector<2560x1xf32>
      %sub3A_234 = vector.broadcast %div3A_210 : vector<2560x1xf32> to vector<2560x128xf32>
      %sub3A_235 = arith.subf %add3A_204, %sub3A_234 : vector<2560x128xf32>
      %add3A_236 = arith.constant 9.99999974E-6 : f32
      %add3A_237 = vector.broadcast %add3A_236 : f32 to vector<2560x1xf32>
      %add3A_238 = arith.addf %select_n3A_233, %add3A_237 : vector<2560x1xf32>
      %sqrt3A_239 = math.sqrt %add3A_238 : vector<2560x1xf32>
      %div3A_240 = vector.broadcast %sqrt3A_239 : vector<2560x1xf32> to vector<2560x128xf32>
      %div3A_241 = arith.divf %sub3A_235, %div3A_240 : vector<2560x128xf32>
      %mul3A_242 = vector.broadcast %get3A_37 : vector<1x128xf32> to vector<2560x128xf32>
      %mul3A_243 = arith.mulf %div3A_241, %mul3A_242 : vector<2560x128xf32>
      %add3A_244 = vector.broadcast %get3A_40 : vector<1x128xf32> to vector<2560x128xf32>
      %add3A_245 = arith.addf %mul3A_243, %add3A_244 : vector<2560x128xf32>
      %swap3A = arith.constant 0 : index
      %swap3A_246 = arith.constant 0 : index
      %swap3A_247 = vector.load %arg17[%swap3A, %swap3A_246] : memref<2560x128xf32, #tpu.memory_space<vmem>>, vector<2560x128xf32>
      tpu.vector_store %arg17[%swap3A, %swap3A_246], %add3A_245 {strides = array<i32>} : memref<2560x128xf32, #tpu.memory_space<vmem>>, vector<2560x128xf32>,
      %dma_start3A_248 = arith.constant 5120 : i32
      %dma_start3A_249 = arith.constant 0 : i32
      %dma_start3A_250 = tpu.memref_slice %arg16[%dma_start3A_248, %dma_start3A_249] : memref<10000x128xf32, #tpu.memory_space<any>> -> memref<2560x128xf32, #tpu.memory_space<any>>
      %dma_start3A_251 = arith.constant 0 : i32
      %dma_start3A_252 = arith.constant 0 : i32
      %dma_start3A_253 = tpu.memref_slice %arg17[%dma_start3A_251, %dma_start3A_252] : memref<2560x128xf32, #tpu.memory_space<vmem>> -> memref<2560x128xf32, #tpu.memory_space<vmem>>
      tpu.enqueue_dma source(%dma_start3A_253 : memref<2560x128xf32, #tpu.memory_space<vmem>>) target(%dma_start3A_250 : memref<2560x128xf32, #tpu.memory_space<any>>) target_semaphore(%arg18 : memref<!tpu.dma_semaphore, #tpu.memory_space<semaphore_mem>>)
      %dma_wait3A_254 = arith.constant 5120 : i32
      %dma_wait3A_255 = arith.constant 0 : i32
      %dma_wait3A_256 = tpu.memref_slice %arg16[%dma_wait3A_254, %dma_wait3A_255] : memref<10000x128xf32, #tpu.memory_space<any>> -> memref<2560x128xf32, #tpu.memory_space<any>>
      %dma_wait3A_257 = arith.constant 0 : i32
      %dma_wait3A_258 = arith.constant 0 : i32
      %dma_wait3A_259 = tpu.memref_slice %arg17[%dma_wait3A_257, %dma_wait3A_258] : memref<2560x128xf32, #tpu.memory_space<vmem>> -> memref<2560x128xf32, #tpu.memory_space<vmem>>
      tpu.wait_dma2 semaphore(%arg18 : memref<!tpu.dma_semaphore, #tpu.memory_space<semaphore_mem>>) src(%dma_wait3A_259 : memref<2560x128xf32, #tpu.memory_space<vmem>>) dst(%dma_wait3A_256 : memref<2560x128xf32, #tpu.memory_space<any>>)
    } else {
    }
    %slice3A_93 = vector.extract_strided_slice %add3A {offsets = [60, 0], sizes = [20, 128], strides = [1, 1]} : vector<80x128xf32> to vector<20x128xf32>
    %le3A_94 = arith.constant 5.000000e-01 : f32
    %le3A_95 = vector.broadcast %le3A_94 : f32 to vector<20x128xf32>
    %le3A_96 = arith.cmpf ole, %slice3A_93, %le3A_95 : vector<20x128xf32>
    %reduce_or3A_97 = arith.constant 1.000000e+00 : f32
    %reduce_or3A_98 = arith.constant 0.000000e+00 : f32
    %reduce_or3A_99 = vector.broadcast %reduce_or3A_97 : f32 to vector<20x128xf32>
    %reduce_or3A_100 = vector.broadcast %reduce_or3A_98 : f32 to vector<20x128xf32>
    %reduce_or3A_101 = arith.select %le3A_96, %reduce_or3A_99, %reduce_or3A_100 : vector<20x128xi1>, vector<20x128xf32>
    %reduce_or3A_102 = vector.shape_cast %reduce_or3A_101 : vector<20x128xf32> to vector<1x20x128xf32>
    %reduce_or3A_103 = arith.constant dense<0xFF800000> : vector<1xf32>
    %reduce_or3A_104 = vector.multi_reduction <maximumf>, %reduce_or3A_102, %reduce_or3A_103 [1, 2] : vector<1x20x128xf32> to vector<1xf32>
    %reduce_or3A_105 = vector.shape_cast %reduce_or3A_104 : vector<1xf32> to vector<1x1x1xf32>
    %reduce_or3A_106 = vector.extract %reduce_or3A_105[0, 0, 0] : f32 from vector<1x1x1xf32>
    %reduce_or3A_107 = arith.constant 0.000000e+00 : f32
    %reduce_or3A_108 = arith.cmpf ogt, %reduce_or3A_106, %reduce_or3A_107 : f32
    %convert_element_type3A_109 = arith.extui %reduce_or3A_108 : i1 to i32
    %cond3A_110 = arith.constant 0 : i32
    %cond3A_111 = arith.cmpi ne, %convert_element_type3A_109, %cond3A_110 : i32
    scf.if %cond3A_111 {
      %dma_start3A = arith.constant 0 : i32
      %dma_start3A_112 = arith.constant 0 : i32
      %dma_start3A_113 = tpu.memref_slice %arg17[%dma_start3A, %dma_start3A_112] : memref<2560x128xf32, #tpu.memory_space<vmem>> -> memref<2320x128xf32, #tpu.memory_space<vmem>>
      %dma_start3A_114 = arith.constant 7680 : i32
      %dma_start3A_115 = arith.constant 0 : i32
      %dma_start3A_116 = tpu.memref_slice %arg14[%dma_start3A_114, %dma_start3A_115] : memref<10000x128xf32, #tpu.memory_space<any>> -> memref<2320x128xf32, #tpu.memory_space<any>>
      tpu.enqueue_dma source(%dma_start3A_116 : memref<2320x128xf32, #tpu.memory_space<any>>) target(%dma_start3A_113 : memref<2320x128xf32, #tpu.memory_space<vmem>>) target_semaphore(%arg18 : memref<!tpu.dma_semaphore, #tpu.memory_space<semaphore_mem>>)
      %dma_wait3A = arith.constant 0 : i32
      %dma_wait3A_117 = arith.constant 0 : i32
      %dma_wait3A_118 = tpu.memref_slice %arg17[%dma_wait3A, %dma_wait3A_117] : memref<2560x128xf32, #tpu.memory_space<vmem>> -> memref<2320x128xf32, #tpu.memory_space<vmem>>
      %dma_wait3A_119 = arith.constant 7680 : i32
      %dma_wait3A_120 = arith.constant 0 : i32
      %dma_wait3A_121 = tpu.memref_slice %arg14[%dma_wait3A_119, %dma_wait3A_120] : memref<10000x128xf32, #tpu.memory_space<any>> -> memref<2320x128xf32, #tpu.memory_space<any>>
      tpu.wait_dma2 semaphore(%arg18 : memref<!tpu.dma_semaphore, #tpu.memory_space<semaphore_mem>>) src(%dma_wait3A_121 : memref<2320x128xf32, #tpu.memory_space<any>>) dst(%dma_wait3A_118 : memref<2320x128xf32, #tpu.memory_space<vmem>>)
      %transpose3A = tpu.transpose %slice3A_93, [1, 0] : vector<20x128xf32> -> vector<128x20xf32>
      %slice3A_122 = vector.extract_strided_slice %transpose3A {offsets = [0, 0], sizes = [128, 1], strides = [1, 1]} : vector<128x20xf32> to vector<128x1xf32>
      %slice3A_123 = vector.extract_strided_slice %transpose3A {offsets = [0, 1], sizes = [128, 1], strides = [1, 1]} : vector<128x20xf32> to vector<128x1xf32>
      %slice3A_124 = vector.extract_strided_slice %transpose3A {offsets = [0, 2], sizes = [128, 1], strides = [1, 1]} : vector<128x20xf32> to vector<128x1xf32>
      %slice3A_125 = vector.extract_strided_slice %transpose3A {offsets = [0, 3], sizes = [128, 1], strides = [1, 1]} : vector<128x20xf32> to vector<128x1xf32>
      %slice3A_126 = vector.extract_strided_slice %transpose3A {offsets = [0, 4], sizes = [128, 1], strides = [1, 1]} : vector<128x20xf32> to vector<128x1xf32>
      %slice3A_127 = vector.extract_strided_slice %transpose3A {offsets = [0, 5], sizes = [128, 1], strides = [1, 1]} : vector<128x20xf32> to vector<128x1xf32>
      %slice3A_128 = vector.extract_strided_slice %transpose3A {offsets = [0, 6], sizes = [128, 1], strides = [1, 1]} : vector<128x20xf32> to vector<128x1xf32>
      %slice3A_129 = vector.extract_strided_slice %transpose3A {offsets = [0, 7], sizes = [128, 1], strides = [1, 1]} : vector<128x20xf32> to vector<128x1xf32>
      %slice3A_130 = vector.extract_strided_slice %transpose3A {offsets = [0, 8], sizes = [128, 1], strides = [1, 1]} : vector<128x20xf32> to vector<128x1xf32>
      %slice3A_131 = vector.extract_strided_slice %transpose3A {offsets = [0, 9], sizes = [128, 1], strides = [1, 1]} : vector<128x20xf32> to vector<128x1xf32>
      %slice3A_132 = vector.extract_strided_slice %transpose3A {offsets = [0, 10], sizes = [128, 1], strides = [1, 1]} : vector<128x20xf32> to vector<128x1xf32>
      %slice3A_133 = vector.extract_strided_slice %transpose3A {offsets = [0, 11], sizes = [128, 1], strides = [1, 1]} : vector<128x20xf32> to vector<128x1xf32>
      %slice3A_134 = vector.extract_strided_slice %transpose3A {offsets = [0, 12], sizes = [128, 1], strides = [1, 1]} : vector<128x20xf32> to vector<128x1xf32>
      %slice3A_135 = vector.extract_strided_slice %transpose3A {offsets = [0, 13], sizes = [128, 1], strides = [1, 1]} : vector<128x20xf32> to vector<128x1xf32>
      %slice3A_136 = vector.extract_strided_slice %transpose3A {offsets = [0, 14], sizes = [128, 1], strides = [1, 1]} : vector<128x20xf32> to vector<128x1xf32>
      %slice3A_137 = vector.extract_strided_slice %transpose3A {offsets = [0, 15], sizes = [128, 1], strides = [1, 1]} : vector<128x20xf32> to vector<128x1xf32>
      %slice3A_138 = vector.extract_strided_slice %transpose3A {offsets = [0, 16], sizes = [128, 1], strides = [1, 1]} : vector<128x20xf32> to vector<128x1xf32>
      %slice3A_139 = vector.extract_strided_slice %transpose3A {offsets = [0, 17], sizes = [128, 1], strides = [1, 1]} : vector<128x20xf32> to vector<128x1xf32>
      %slice3A_140 = vector.extract_strided_slice %transpose3A {offsets = [0, 18], sizes = [128, 1], strides = [1, 1]} : vector<128x20xf32> to vector<128x1xf32>
      %slice3A_141 = vector.extract_strided_slice %transpose3A {offsets = [0, 19], sizes = [128, 1], strides = [1, 1]} : vector<128x20xf32> to vector<128x1xf32>
      %concatenate3A = tpu.concatenate %slice3A_122, %slice3A_123, %slice3A_124, %slice3A_125, %slice3A_126, %slice3A_127, %slice3A_128, %slice3A_129, %slice3A_130, %slice3A_131, %slice3A_132, %slice3A_133, %slice3A_134, %slice3A_135, %slice3A_136, %slice3A_137, %slice3A_138, %slice3A_139, %slice3A_140, %slice3A_141 in 0 : vector<128x1xf32>, vector<128x1xf32>, vector<128x1xf32>, vector<128x1xf32>, vector<128x1xf32>, vector<128x1xf32>, vector<128x1xf32>, vector<128x1xf32>, vector<128x1xf32>, vector<128x1xf32>, vector<128x1xf32>, vector<128x1xf32>, vector<128x1xf32>, vector<128x1xf32>, vector<128x1xf32>, vector<128x1xf32>, vector<128x1xf32>, vector<128x1xf32>, vector<128x1xf32>, vector<128x1xf32> -> vector<2560x1xf32>
      %slice3A_142 = vector.extract_strided_slice %concatenate3A {offsets = [0, 0], sizes = [2320, 1], strides = [1, 1]} : vector<2560x1xf32> to vector<2320x1xf32>
      %gt3A = arith.constant 5.000000e-01 : f32
      %gt3A_143 = vector.broadcast %gt3A : f32 to vector<2320x1xf32>
      %gt3A_144 = arith.cmpf ogt, %slice3A_142, %gt3A_143 : vector<2320x1xf32>
      %jit3A = arith.constant 1.000000e+00 : f32
      %jit3A_145 = arith.constant 0.000000e+00 : f32
      %broadcast_in_dim3A = vector.broadcast %jit3A : f32 to vector<2320x1xf32>
      %broadcast_in_dim3A_146 = vector.broadcast %jit3A_145 : f32 to vector<2320x1xf32>
      %select_n3A = arith.select %gt3A_144, %broadcast_in_dim3A, %broadcast_in_dim3A_146 : vector<2320x1xi1>, vector<2320x1xf32>
      %get3A_147 = arith.constant 0 : index
      %get3A_148 = arith.constant 0 : index
      %get3A_149 = vector.load %arg17[%get3A_147, %get3A_148] : memref<2560x128xf32, #tpu.memory_space<vmem>>, vector<2320x128xf32>
      %dot_general3A = arith.constant dense<0.000000e+00> : vector<2320x128xf32>
      %dot_general3A_150 = tpu.matmul %get3A_149, %get3A_7, %dot_general3A {dimension_numbers = #tpu.dot_dimension_numbers<[1], [1], [0], [0], [0, 0, 1, 0], [], []>, transpose_lhs_hint = false} : vector<2320x128xf32>, vector<128x128xf32>, vector<2320x128xf32> -> vector<2320x128xf32>
      %add3A_151 = vector.broadcast %get3A_10 : vector<1x128xf32> to vector<2320x128xf32>
      %add3A_152 = arith.addf %dot_general3A_150, %add3A_151 : vector<2320x128xf32>
      %mul3A = vector.broadcast %select_n3A : vector<2320x1xf32> to vector<2320x128xf32>
      %mul3A_153 = arith.mulf %add3A_152, %mul3A : vector<2320x128xf32>
      %dot_general3A_154 = arith.constant dense<0.000000e+00> : vector<2320x128xf32>
      %dot_general3A_155 = tpu.matmul %mul3A_153, %get3A_13, %dot_general3A_154 {dimension_numbers = #tpu.dot_dimension_numbers<[1], [1], [0], [0], [0, 0, 1, 0], [], []>, transpose_lhs_hint = false} : vector<2320x128xf32>, vector<128x128xf32>, vector<2320x128xf32> -> vector<2320x128xf32>
      %add3A_156 = vector.broadcast %get3A_16 : vector<1x128xf32> to vector<2320x128xf32>
      %add3A_157 = arith.addf %dot_general3A_155, %add3A_156 : vector<2320x128xf32>
      %add3A_158 = arith.addf %get3A_149, %add3A_157 : vector<2320x128xf32>
      %reduce_sum3A = arith.constant dense<0.000000e+00> : vector<2320xf32>
      %reduce_sum3A_159 = vector.multi_reduction <add>, %add3A_158, %reduce_sum3A [1] : vector<2320x128xf32> to vector<2320xf32>
      %broadcast_in_dim3A_160 = vector.shape_cast %reduce_sum3A_159 : vector<2320xf32> to vector<2320x1xf32>
      %div3A = arith.constant 1.280000e+02 : f32
      %div3A_161 = vector.broadcast %div3A : f32 to vector<2320x1xf32>
      %div3A_162 = arith.divf %broadcast_in_dim3A_160, %div3A_161 : vector<2320x1xf32>
      %jit3A_163 = arith.constant 0 : i32
      %reduce_sum3A_164 = arith.constant dense<0.000000e+00> : vector<2320xf32>
      %reduce_sum3A_165 = vector.multi_reduction <add>, %add3A_158, %reduce_sum3A_164 [1] : vector<2320x128xf32> to vector<2320xf32>
      %broadcast_in_dim3A_166 = vector.shape_cast %reduce_sum3A_165 : vector<2320xf32> to vector<2320x1xf32>
      %div3A_167 = arith.constant 1.280000e+02 : f32
      %div3A_168 = vector.broadcast %div3A_167 : f32 to vector<2320x1xf32>
      %div3A_169 = arith.divf %broadcast_in_dim3A_166, %div3A_168 : vector<2320x1xf32>
      %sub3A = vector.broadcast %div3A_169 : vector<2320x1xf32> to vector<2320x128xf32>
      %sub3A_170 = arith.subf %add3A_158, %sub3A : vector<2320x128xf32>
      %square3A = arith.mulf %sub3A_170, %sub3A_170 : vector<2320x128xf32>
      %convert_element_type3A_171 = arith.sitofp %jit3A_163 : i32 to f32
      %sub3A_172 = arith.constant 1.280000e+02 : f32
      %sub3A_173 = arith.subf %sub3A_172, %convert_element_type3A_171 : f32
      %reduce_sum3A_174 = arith.constant dense<0.000000e+00> : vector<2320xf32>
      %reduce_sum3A_175 = vector.multi_reduction <add>, %square3A, %reduce_sum3A_174 [1] : vector<2320x128xf32> to vector<2320xf32>
      %broadcast_in_dim3A_176 = vector.shape_cast %reduce_sum3A_175 : vector<2320xf32> to vector<2320x1xf32>
      %div3A_177 = vector.broadcast %sub3A_173 : f32 to vector<2320x1xf32>
      %div3A_178 = arith.divf %broadcast_in_dim3A_176, %div3A_177 : vector<2320x1xf32>
      %gt3A_179 = arith.constant 0.000000e+00 : f32
      %gt3A_180 = arith.cmpf ogt, %sub3A_173, %gt3A_179 : f32
      %jit3A_181 = arith.constant 0x7FC00000 : f32
      %broadcast_in_dim3A_182 = vector.broadcast %jit3A_181 : f32 to vector<2320x1xf32>
      %select_n3A_183 = arith.select %gt3A_180, %div3A_178, %broadcast_in_dim3A_182 : vector<2320x1xf32>
      %sub3A_184 = vector.broadcast %div3A_162 : vector<2320x1xf32> to vector<2320x128xf32>
      %sub3A_185 = arith.subf %add3A_158, %sub3A_184 : vector<2320x128xf32>
      %add3A_186 = arith.constant 9.99999974E-6 : f32
      %add3A_187 = vector.broadcast %add3A_186 : f32 to vector<2320x1xf32>
      %add3A_188 = arith.addf %select_n3A_183, %add3A_187 : vector<2320x1xf32>
      %sqrt3A = math.sqrt %add3A_188 : vector<2320x1xf32>
      %div3A_189 = vector.broadcast %sqrt3A : vector<2320x1xf32> to vector<2320x128xf32>
      %div3A_190 = arith.divf %sub3A_185, %div3A_189 : vector<2320x128xf32>
      %mul3A_191 = vector.broadcast %get3A_19 : vector<1x128xf32> to vector<2320x128xf32>
      %mul3A_192 = arith.mulf %div3A_190, %mul3A_191 : vector<2320x128xf32>
      %add3A_193 = vector.broadcast %get3A_22 : vector<1x128xf32> to vector<2320x128xf32>
      %add3A_194 = arith.addf %mul3A_192, %add3A_193 : vector<2320x128xf32>
      %dot_general3A_195 = arith.constant dense<0.000000e+00> : vector<2320x128xf32>
      %dot_general3A_196 = tpu.matmul %add3A_194, %get3A_25, %dot_general3A_195 {dimension_numbers = #tpu.dot_dimension_numbers<[1], [1], [0], [0], [0, 0, 1, 0], [], []>, transpose_lhs_hint = false} : vector<2320x128xf32>, vector<128x128xf32>, vector<2320x128xf32> -> vector<2320x128xf32>
      %add3A_197 = vector.broadcast %get3A_28 : vector<1x128xf32> to vector<2320x128xf32>
      %add3A_198 = arith.addf %dot_general3A_196, %add3A_197 : vector<2320x128xf32>
      %max3A = arith.constant 0.000000e+00 : f32
      %max3A_199 = vector.broadcast %max3A : f32 to vector<2320x128xf32>
      %max3A_200 = arith.maximumf %add3A_198, %max3A_199 : vector<2320x128xf32>
      %dot_general3A_201 = arith.constant dense<0.000000e+00> : vector<2320x128xf32>
      %dot_general3A_202 = tpu.matmul %max3A_200, %get3A_31, %dot_general3A_201 {dimension_numbers = #tpu.dot_dimension_numbers<[1], [1], [0], [0], [0, 0, 1, 0], [], []>, transpose_lhs_hint = false} : vector<2320x128xf32>, vector<128x128xf32>, vector<2320x128xf32> -> vector<2320x128xf32>
      %add3A_203 = vector.broadcast %get3A_34 : vector<1x128xf32> to vector<2320x128xf32>
      %add3A_204 = arith.addf %dot_general3A_202, %add3A_203 : vector<2320x128xf32>
      %add3A_205 = arith.addf %add3A_194, %add3A_204 : vector<2320x128xf32>
      %reduce_sum3A_206 = arith.constant dense<0.000000e+00> : vector<2320xf32>
      %reduce_sum3A_207 = vector.multi_reduction <add>, %add3A_205, %reduce_sum3A_206 [1] : vector<2320x128xf32> to vector<2320xf32>
      %broadcast_in_dim3A_208 = vector.shape_cast %reduce_sum3A_207 : vector<2320xf32> to vector<2320x1xf32>
      %div3A_209 = arith.constant 1.280000e+02 : f32
      %div3A_210 = vector.broadcast %div3A_209 : f32 to vector<2320x1xf32>
      %div3A_211 = arith.divf %broadcast_in_dim3A_208, %div3A_210 : vector<2320x1xf32>
      %jit3A_212 = arith.constant 0 : i32
      %reduce_sum3A_213 = arith.constant dense<0.000000e+00> : vector<2320xf32>
      %reduce_sum3A_214 = vector.multi_reduction <add>, %add3A_205, %reduce_sum3A_213 [1] : vector<2320x128xf32> to vector<2320xf32>
      %broadcast_in_dim3A_215 = vector.shape_cast %reduce_sum3A_214 : vector<2320xf32> to vector<2320x1xf32>
      %div3A_216 = arith.constant 1.280000e+02 : f32
      %div3A_217 = vector.broadcast %div3A_216 : f32 to vector<2320x1xf32>
      %div3A_218 = arith.divf %broadcast_in_dim3A_215, %div3A_217 : vector<2320x1xf32>
      %sub3A_219 = vector.broadcast %div3A_218 : vector<2320x1xf32> to vector<2320x128xf32>
      %sub3A_220 = arith.subf %add3A_205, %sub3A_219 : vector<2320x128xf32>
      %square3A_221 = arith.mulf %sub3A_220, %sub3A_220 : vector<2320x128xf32>
      %convert_element_type3A_222 = arith.sitofp %jit3A_212 : i32 to f32
      %sub3A_223 = arith.constant 1.280000e+02 : f32
      %sub3A_224 = arith.subf %sub3A_223, %convert_element_type3A_222 : f32
      %reduce_sum3A_225 = arith.constant dense<0.000000e+00> : vector<2320xf32>
      %reduce_sum3A_226 = vector.multi_reduction <add>, %square3A_221, %reduce_sum3A_225 [1] : vector<2320x128xf32> to vector<2320xf32>
      %broadcast_in_dim3A_227 = vector.shape_cast %reduce_sum3A_226 : vector<2320xf32> to vector<2320x1xf32>
      %div3A_228 = vector.broadcast %sub3A_224 : f32 to vector<2320x1xf32>
      %div3A_229 = arith.divf %broadcast_in_dim3A_227, %div3A_228 : vector<2320x1xf32>
      %gt3A_230 = arith.constant 0.000000e+00 : f32
      %gt3A_231 = arith.cmpf ogt, %sub3A_224, %gt3A_230 : f32
      %jit3A_232 = arith.constant 0x7FC00000 : f32
      %broadcast_in_dim3A_233 = vector.broadcast %jit3A_232 : f32 to vector<2320x1xf32>
      %select_n3A_234 = arith.select %gt3A_231, %div3A_229, %broadcast_in_dim3A_233 : vector<2320x1xf32>
      %sub3A_235 = vector.broadcast %div3A_211 : vector<2320x1xf32> to vector<2320x128xf32>
      %sub3A_236 = arith.subf %add3A_205, %sub3A_235 : vector<2320x128xf32>
      %add3A_237 = arith.constant 9.99999974E-6 : f32
      %add3A_238 = vector.broadcast %add3A_237 : f32 to vector<2320x1xf32>
      %add3A_239 = arith.addf %select_n3A_234, %add3A_238 : vector<2320x1xf32>
      %sqrt3A_240 = math.sqrt %add3A_239 : vector<2320x1xf32>
      %div3A_241 = vector.broadcast %sqrt3A_240 : vector<2320x1xf32> to vector<2320x128xf32>
      %div3A_242 = arith.divf %sub3A_236, %div3A_241 : vector<2320x128xf32>
      %mul3A_243 = vector.broadcast %get3A_37 : vector<1x128xf32> to vector<2320x128xf32>
      %mul3A_244 = arith.mulf %div3A_242, %mul3A_243 : vector<2320x128xf32>
      %add3A_245 = vector.broadcast %get3A_40 : vector<1x128xf32> to vector<2320x128xf32>
      %add3A_246 = arith.addf %mul3A_244, %add3A_245 : vector<2320x128xf32>
      %swap3A = arith.constant 0 : index
      %swap3A_247 = arith.constant 0 : index
      %swap3A_248 = vector.load %arg17[%swap3A, %swap3A_247] : memref<2560x128xf32, #tpu.memory_space<vmem>>, vector<2320x128xf32>
      tpu.vector_store %arg17[%swap3A, %swap3A_247], %add3A_246 {strides = array<i32>} : memref<2560x128xf32, #tpu.memory_space<vmem>>, vector<2320x128xf32>,
      %dma_start3A_249 = arith.constant 7680 : i32
      %dma_start3A_250 = arith.constant 0 : i32
      %dma_start3A_251 = tpu.memref_slice %arg16[%dma_start3A_249, %dma_start3A_250] : memref<10000x128xf32, #tpu.memory_space<any>> -> memref<2320x128xf32, #tpu.memory_space<any>>
      %dma_start3A_252 = arith.constant 0 : i32
      %dma_start3A_253 = arith.constant 0 : i32
      %dma_start3A_254 = tpu.memref_slice %arg17[%dma_start3A_252, %dma_start3A_253] : memref<2560x128xf32, #tpu.memory_space<vmem>> -> memref<2320x128xf32, #tpu.memory_space<vmem>>
      tpu.enqueue_dma source(%dma_start3A_254 : memref<2320x128xf32, #tpu.memory_space<vmem>>) target(%dma_start3A_251 : memref<2320x128xf32, #tpu.memory_space<any>>) target_semaphore(%arg18 : memref<!tpu.dma_semaphore, #tpu.memory_space<semaphore_mem>>)
      %dma_wait3A_255 = arith.constant 7680 : i32
      %dma_wait3A_256 = arith.constant 0 : i32
      %dma_wait3A_257 = tpu.memref_slice %arg16[%dma_wait3A_255, %dma_wait3A_256] : memref<10000x128xf32, #tpu.memory_space<any>> -> memref<2320x128xf32, #tpu.memory_space<any>>
      %dma_wait3A_258 = arith.constant 0 : i32
      %dma_wait3A_259 = arith.constant 0 : i32
      %dma_wait3A_260 = tpu.memref_slice %arg17[%dma_wait3A_258, %dma_wait3A_259] : memref<2560x128xf32, #tpu.memory_space<vmem>> -> memref<2320x128xf32, #tpu.memory_space<vmem>>
      tpu.wait_dma2 semaphore(%arg18 : memref<!tpu.dma_semaphore, #tpu.memory_space<semaphore_mem>>) src(%dma_wait3A_260 : memref<2320x128xf32, #tpu.memory_space<vmem>>) dst(%dma_wait3A_257 : memref<2320x128xf32, #tpu.memory_space<any>>)
    } else {
    }
    return
  }
  func.func @transform_0(%arg0: i32) -> (i32, i32) {
    %c0_i32 = arith.constant 0 : i32
    %c0_i32_0 = arith.constant 0 : i32
    %c0_i32_1 = arith.constant 0 : i32
    return %c0_i32, %c0_i32_0 : i32, i32
  }
  func.func @transform_1(%arg0: i32) -> (i32, i32) {
    %c0_i32 = arith.constant 0 : i32
    %c0_i32_0 = arith.constant 0 : i32
    %c0_i32_1 = arith.constant 0 : i32
    return %c0_i32, %c0_i32_0 : i32, i32
  }
  func.func @transform_2(%arg0: i32) -> (i32, i32) {
    %c0_i32 = arith.constant 0 : i32
    %c0_i32_0 = arith.constant 0 : i32
    %c0_i32_1 = arith.constant 0 : i32
    return %c0_i32, %c0_i32_0 : i32, i32
  }
  func.func @transform_3(%arg0: i32) -> (i32, i32) {
    %c0_i32 = arith.constant 0 : i32
    %c0_i32_0 = arith.constant 0 : i32
    %c0_i32_1 = arith.constant 0 : i32
    return %c0_i32, %c0_i32_0 : i32, i32
  }
  func.func @transform_4(%arg0: i32) -> (i32, i32) {
    %c0_i32 = arith.constant 0 : i32
    %c0_i32_0 = arith.constant 0 : i32
    %c0_i32_1 = arith.constant 0 : i32
    return %c0_i32, %c0_i32_0 : i32, i32
  }
  func.func @transform_5(%arg0: i32) -> (i32, i32) {
    %c0_i32 = arith.constant 0 : i32
    %c0_i32_0 = arith.constant 0 : i32
    %c0_i32_1 = arith.constant 0 : i32
    return %c0_i32, %c0_i32_0 : i32, i32
  }
  func.func @transform_6(%arg0: i32) -> (i32, i32) {
    %c0_i32 = arith.constant 0 : i32
    %c0_i32_0 = arith.constant 0 : i32
    %c0_i32_1 = arith.constant 0 : i32
    return %c0_i32, %c0_i32_0 : i32, i32
  }
  func.func @transform_7(%arg0: i32) -> (i32, i32) {
    %c0_i32 = arith.constant 0 : i32
    %c0_i32_0 = arith.constant 0 : i32
    %c0_i32_1 = arith.constant 0 : i32
    return %c0_i32, %c0_i32_0 : i32, i32
  }
  func.func @transform_8(%arg0: i32) -> (i32, i32) {
    %c0_i32 = arith.constant 0 : i32
    %c0_i32_0 = arith.constant 0 : i32
    %c0_i32_1 = arith.constant 0 : i32
    return %c0_i32, %c0_i32_0 : i32, i32
  }
  func.func @transform_9(%arg0: i32) -> (i32, i32) {
    %c0_i32 = arith.constant 0 : i32
    %c0_i32_0 = arith.constant 0 : i32
    %c0_i32_1 = arith.constant 0 : i32
    return %c0_i32, %c0_i32_0 : i32, i32
  }
  func.func @transform_10(%arg0: i32) -> (i32, i32) {
    %c0_i32 = arith.constant 0 : i32
    %c0_i32_0 = arith.constant 0 : i32
    %c0_i32_1 = arith.constant 0 : i32
    return %c0_i32, %c0_i32_0 : i32, i32
  }
  func.func @transform_11(%arg0: i32) -> (i32, i32) {
    %c0_i32 = arith.constant 0 : i32
    %c0_i32_0 = arith.constant 0 : i32
    %c0_i32_1 = arith.constant 0 : i32
    return %c0_i32, %c0_i32_0 : i32, i32
  }
  func.func @transform_12(%arg0: i32) -> (i32, i32) {
    %c0_i32 = arith.constant 0 : i32
    %c0_i32_0 = arith.constant 0 : i32
    %c0_i32_1 = arith.constant 0 : i32
    return %c0_i32, %c0_i32_0 : i32, i32
  }
}

</mosaic_0001>

<sc_bundles>
// kernel: kernel.5.cloned.1.call-start
scs
__scs_entry_jumppad:
0x0: {  	(pc) =	sbr.rel $0x88, $3  }
0x1: {  	(tag) =	ssettag $0x0;
	lr =	simm.s32 $0x1  }
0x2: {  	[smem:$0x3F93] =	sst lr;
	_ =	strace $0xD0000000  }
0x3: {  	_ = 	snop  }
0x4: {  	_ = 	snop  }
0x5: {  	_ = 	snop  }
0x6: {  	_ = 	snop  }
0x7: {  	_ = 	snop  }
__scs_overlays_trampoline_lowered:
0x8: {  	[smem:$0x3FA2] =	sst s0  }
0x9: {  	[smem:$0x3FA3] =	sst s1  }
0xa: {  	[smem:$0x3FA4] =	sst s2  }
0xb: {  	[smem:$0x3FA5] =	sst s3  }
0xc: {  	[smem:$0x3FA6] =	sst s4  }
0xd: {  	[smem:$0x3FA7] =	sst s5  }
0xe: {  	[smem:$0x3FA8] =	sst s6  }
0xf: {  	[smem:$0x3FA9] =	sst s7  }
0x10: {  	[smem:$0x3FAA] =	sst s8  }
0x11: {  	[smem:$0x3FAB] =	sst s9;
	s0 =	simm.s32 @!p0 $0x0  }
0x12: {  	s1 =	sld [smem:$0x3F91];
	s0 =	simm.s32 @p0 $0x1  }
0x13: {  	[smem:$0x3FAC] =	sst s0;
	s0 =	simm.s32 @!p1 $0x0  }
0x14: {  	s2 =	sld [smem:$0x3F90];
	s0 =	simm.s32 @p1 $0x1  }
0x15: {  	[smem:$0x3FAD] =	sst s0;
	s0 =	simm.s32 @!p2 $0x0  }
0x16: {  	s3 =	sld [smem:$0x3FDB];
	s0 =	simm.s32 @p2 $0x1  }
0x17: {  	s4 =	simm.s32 $0x1BF5;
	[smem:$0x3FAF] =	sst s0  }
0x18: {  	s0 =	sld [smem:$0x3F92];
	_ =	swait.ge [sflag:s4], $0x0  }
0x19: {  	s7 =	sld [smem:$0x3F93]  }
0x1a: {  	s8 =	sadd.s32 $0xFFFFE003, lr  }
0x1b: {  	s9 =	sadd.s32 $0xFFFFFEF7, lr;
	s5 =	simm.s32 $0xFFFFFFFF;
	p2 =	slt.u32 s8, $0xFFFFF086  }
0x1c: {  	p1 =	slt.u32 s9, $0xF7A;
	s5 =	simm.s32 @!p2 $0x0  }
0x1d: {  	s5 =	simm.s32 @p1 $0x1;
	p0 =	seq.s32 s7, s2  }
0x1e: {  	s7 =	smul.u32 @!p0 $0xF7A, s2;
	p2 =	seq.s32 @!p0 s5, $0x0  }
0x1f: {  	s9 =	smul.u32 $0xF7A, s1;
	s8 =	simm.s32 @!p0 $0x1BF5;
	p2 =	por !p2, p0  }
0x20: {  	[sflag:s8] =	ssyncset.s32 @!p0 $0xFFFFF086;
	s6 =	sadd.s32 @!p0 s3, s7;
	s7 =	simm.s32 @!p0 $0x108  }
0x21: {  	s3 =	sadd.s32 s3, s9;
	s6 =	sadd.s32 @!p0 $0x88, s6;
	s7 =	simm.s32 @p2 $0x1082  }
0x22: {  	[simem:s7], [sflag:s8] =	dma.local @!p0 [hbm:s6], $0xF7A  }
0x23: {  	s9 =	sor.u32 $0xD0000000, s2;
	s6 =	simm.s32 $0x108;
	_ =	swait.ge @!p0 [sflag:s8], $0x0  }
0x24: {  	s3 =	sadd.s32 $0x88, s3;
	s6 =	simm.s32 @!p1 $0x1082;
	[sflag:s4] =	ssyncset.s32 $0xFFFFF086  }
0x25: {  	[simem:s6], [sflag:s4] =	dma.local [hbm:s3], $0xF7A  }
0x26: {  	[smem:$0x3F93] =	sst s1;
	(tag) =	ssettag s2;
	_ =	strace s9  }
0x27: {  	s1 =	sld [smem:$0x3FA3]  }
0x28: {  	s2 =	sld [smem:$0x3FA4]  }
0x29: {  	s4 =	sld [smem:$0x3FA6]  }
0x2a: {  	p0 =	seq.s32 s5, $0x0;
	s5 =	sld [smem:$0x3FA7]  }
0x2b: {  	s6 =	sld [smem:$0x3FA8]  }
0x2c: {  	s7 =	sld [smem:$0x3FA9]  }
0x2d: {  	s3 =	simm.s32 $0x108;
	s8 =	sld [smem:$0x3FAA]  }
0x2e: {  	s3 =	simm.s32 @!p0 $0x1082;
	s9 =	sld [smem:$0x3FAB]  }
0x2f: {  	lr =	sadd.s32 s0, s3;
	s0 =	sld [smem:$0x3FA2]  }
0x30: {  	s3 =	sld [smem:$0x3FA5]  }
0x31: {  	[smem:$0x3FAE] =	sst s10  }
0x32: {  	s10 =	sld [smem:$0x3FAC];
	_ =	sdelay $0x3  }
0x33: {  	p0 =	seq.s32 s10, $0x1;
	s10 =	sld [smem:$0x3FAE];
	_ =	sdelay $0x3  }
0x34: {  	[smem:$0x3FAE] =	sst s10  }
0x35: {  	s10 =	sld [smem:$0x3FAD];
	_ =	sdelay $0x3  }
0x36: {  	p1 =	seq.s32 s10, $0x1;
	s10 =	sld [smem:$0x3FAE];
	_ =	sdelay $0x3  }
0x37: {  	[smem:$0x3FAE] =	sst s10  }
0x38: {  	s10 =	sld [smem:$0x3FAF]  }
0x39: {  	_ = 	snop;
	(pc) =	sbr.ind lr, $3  }
0x3a: {  	_ = 	snop  }
0x3b: {  	_ = 	snop  }
0x3c: {  	p2 =	seq.s32 s10, $0x1;
	s10 =	sld [smem:$0x3FAE]  }
0x3d: {  	_ =	shalt  }
0x3e: {  	_ =	shalt  }
0x3f: {  	_ =	shalt  }
0x40: {  	_ =	shalt  }
0x41: {  	_ =	shalt  }
0x42: {  	_ =	shalt  }
0x43: {  	_ =	shalt  }
0x44: {  	_ =	shalt  }
0x45: {  	_ =	shalt  }
0x46: {  	_ =	shalt  }
0x47: {  	_ =	shalt  }
0x48: {  	_ =	shalt  }
0x49: {  	_ =	shalt  }
0x4a: {  	_ =	shalt  }
0x4b: {  	_ =	shalt  }
0x4c: {  	_ =	shalt  }
0x4d: {  	_ =	shalt  }
0x4e: {  	_ =	shalt  }
0x4f: {  	_ =	shalt  }
0x50: {  	_ =	shalt  }
0x51: {  	_ =	shalt  }
0x52: {  	_ =	shalt  }
0x53: {  	_ =	shalt  }
0x54: {  	_ =	shalt  }
0x55: {  	_ =	shalt  }
0x56: {  	_ =	shalt  }
0x57: {  	_ =	shalt  }
0x58: {  	_ =	shalt  }
0x59: {  	_ =	shalt  }
0x5a: {  	_ =	shalt  }
0x5b: {  	_ =	shalt  }
0x5c: {  	_ =	shalt  }
0x5d: {  	_ =	shalt  }
0x5e: {  	_ =	shalt  }
0x5f: {  	_ =	shalt  }
0x60: {  	_ =	shalt  }
0x61: {  	_ =	shalt  }
0x62: {  	_ =	shalt  }
0x63: {  	_ =	shalt  }
0x64: {  	_ =	shalt  }
0x65: {  	_ =	shalt  }
0x66: {  	_ =	shalt  }
0x67: {  	_ =	shalt  }
0x68: {  	_ =	shalt  }
0x69: {  	_ =	shalt  }
0x6a: {  	_ =	shalt  }
0x6b: {  	_ =	shalt  }
0x6c: {  	_ =	shalt  }
0x6d: {  	_ =	shalt  }
0x6e: {  	_ =	shalt  }
0x6f: {  	_ =	shalt  }
0x70: {  	_ =	shalt  }
0x71: {  	_ =	shalt  }
0x72: {  	_ =	shalt  }
0x73: {  	_ =	shalt  }
0x74: {  	_ =	shalt  }
0x75: {  	_ =	shalt  }
0x76: {  	_ =	shalt  }
0x77: {  	_ =	shalt  }
0x78: {  	_ =	shalt  }
0x79: {  	_ =	shalt  }
0x7a: {  	_ =	shalt  }
0x7b: {  	_ =	shalt  }
0x7c: {  	_ =	shalt  }
0x7d: {  	_ =	shalt  }
0x7e: {  	_ =	shalt  }
0x7f: {  	_ =	shalt  }
0x80: {  	_ =	shalt  }
0x81: {  	_ =	shalt  }
0x82: {  	_ =	shalt  }
0x83: {  	_ =	shalt  }
0x84: {  	_ =	shalt  }
0x85: {  	_ =	shalt  }
0x86: {  	_ =	shalt  }
0x87: {  	_ =	shalt  }
.Lfunc_end0:
.L_simem_size_0:
called_computation_lowered:
.L_overlay_start_0:
0x88: {  	s2 =	sld [smem:$0x3FD9]  }
0x89: {  	s3 =	sld [smem:$0x3FFE];
	_ =	sdelay $0x1  }
0x8a: {  	s1 =	srdreg.scid  }
0x8b: {  	s0 =	sand.u32 $0x1, s1  }
0x8c: {  	s17 =	sshll.u32 s0, $0xA;
	s2 =	sadd.s32 s3, s2  }
0x8d: {  	s2 =	sadd.s32 s2, s17  }
0x8e: {  	[smem:$0x3FBA] =	sst s2  }
0x8f: {  	_ = 	snop  }
0x90: {  	s2 =	sld [smem:$0x3FC8];
	(tm) =	ssettm $0x1  }
0x91: {  	s18 =	sld [smem:$0x3FFB];
	_ =	sdelay $0x3  }
0x92: {  	_ =	strace s18  }
0x93: {  	s3 =	sld [smem:$0x3FFC];
	_ =	sdelay $0x3  }
0x94: {  	_ =	strace s3  }
0x95: {  	s3 =	sld [smem:$0x3FFD];
	_ =	sdelay $0x3  }
0x96: {  	_ =	strace s3  }
0x97: {  	_ =	strace $0x8FFFFFFF  }
0x98: {  	s19 =	sld [smem:$0x3FDB];
	_ =	sdelay $0x1  }
0x99: {  	s4 =	simm.s32 $_scs_section_size  }
0x9a: {  	s5 =	simm.s32 $_size__tile_overlayer_lowered;
	s6 =	simm.s32 $_tile_overlayer_lowered  }
0x9b: {  	s22 =	simm.s32 $0x1BFF;
	s21 =	sshll.u32 s6, $0x1;
	s3 =	sadd.s32 s4, s19  }
0x9c: {  	s7 =	simm.s32 $0x0;
	s20 =	sshll.u32 s5, $0x1;
	s5 =	sadd.s32 s21, s3  }
0x9d: {  	[timem:s7], [sflag:s22] =	dma.local [hbm:s5], s20  }
0x9e: {  	_ =	swait.ge [sflag:s22], s20  }
0x9f: {  	s4 =	ssub.s32 $0x0, s20;
	[sflag:s22] =	ssyncset.done $0x0  }
0xa0: {  	[sflag:s22] =	ssyncadd.s32 s4;
	_ =	sdelay $0x1  }
0xa1: {  	s23 =	simm.s32 $0x1B8B  }
0xa2: {  	_ =	swait.ge [sflag:s23], $0x1  }
0xa3: {  	[sflag:s23] =	ssyncset.done $0x0  }
0xa4: {  	s25 =	simm.s32 $0x1B8E;
	s24 =	sld [smem:$0x3FFE];
	[sflag:s23] =	ssyncadd.s32 $0xFFFFFFFF  }
0xa5: {  	s26 =	simm.s32 $execute0_lowered;
	[smem:$0x3FD2] =	sst s25  }
0xa6: {  	s5 =	sshll.u32 s26, $0x1;
	_ =	strace $0x80000046;
	[dreg:$0x1] =	wrdreg $0xFFFFFFFF  }
0xa7: {  	s28 =	simm.s32 $_size_execute0_lowered;
	s3 =	sadd.s32 s3, s5;
	[dreg:$0x0] =	wrdreg $0x0  }
0xa8: {  	s5 =	sshll.u32 s28, $0x1;
	[dreg:$0x2] =	wrdreg s3  }
0xa9: {  	[dreg:$0x3] =	wrdreg s5  }
0xaa: {  	[dreg:$0x4] =	wrdreg $0xC0  }
0xab: {  	_ =	task [dreg:s7], $0x5FFFF  }
0xac: {  	[dreg:$0x1] =	wrdreg $0xFFFFFFFF  }
0xad: {  	[dreg:$0x0] =	wrdreg $0x60  }
0xae: {  	[dreg:$0x2] =	wrdreg s2  }
0xaf: {  	[dreg:$0x3] =	wrdreg s24  }
0xb0: {  	[dreg:$0x4] =	wrdreg $0x54000  }
0xb1: {  	[dreg:$0x5] =	wrdreg $0x9  }
0xb2: {  	_ =	task.clear_ibuf [dreg:s7], $0x6FFFF;
	_ =	strace $0x90000046  }
0xb3: {  	s29 =	simm.s32 $0x9;
	_ =	strace $0x80000048  }
0xb4: {  	_ =	swait.ge [sflag:s29], $0x1  }
0xb5: {  	[sflag:s29] =	ssyncadd.s32 $0xFFFFFFFF  }
0xb6: {  	_ =	strace $0x90000048  }
0xb7: {  	_ =	sfence  }
0xb8: {  	s30 =	sld [smem:$0x0];
	_ =	sdelay $0x2  }
0xb9: {  	s31 =	sshll.u32 s1, $0xD;
	s1 =	sshrl.u32 s1, $0x2  }
0xba: {  	s3 =	sand.u32 $0x4000, s31;
	s1 =	sadd.s32 s1, s30  }
0xbb: {  	s0 =	sor.u32 s3, s0;
	s1 =	sshll.u32 s1, $0x11  }
0xbc: {  	s0 =	sor.u32 s1, s0  }
0xbd: {  	s0 =	sadd.s32 $0x8F2B, s0  }
0xbe: {  	[sflag:s0] =	ssyncadd.remote.s32 $0x1  }
0xbf: {  	_ =	sfence.sel $0xFFFF  }
0xc0: {  	[dreg:$0x0] =	wrdreg $0xFFFFFFFF;
	(pc) =	sbr.abs _section_cstart, $3  }
0xc1: {  	[dreg:$0x1] =	wrdreg $0xFFFFFFFF  }
0xc2: {  	_ =	task.clear_ibuf [dreg:s7], $0x2FFFF;
	_ =	strace $0x9FFFFFFF  }
0xc3: {  	(tm) =	ssettm $0x7FFFFFFF  }
tec
execute0_lowered:
.L_overlay_start_1:
0x0: {  	(tag) =	ssettag $0x1  }
0x1: {  	s6 =	rddreg [dreg:$0x0]  }
0x2: {  	s13 =	rddreg [dreg:$0x1]  }
0x3: {  	s2 =	rddreg [dreg:$0x2]  }
0x4: {  	s0 =	rddreg [dreg:$0x3]  }
0x5: {  	s4 =	srdreg.scid;
	s1 =	stileid.u32  }
0x6: {  	s3 =	simm.s32 $0x0;
	s12 =	sand.u32 $0x1, s4;
	s28 =	sshll.u32 s1, $0x1  }
0x7: {  	[smem:$0x7FF] =	sst s3;
	s4 =	sadd.s32 $0x2600, s13;
	s5 =	sor.u32 s12, s28  }
0x8: {  	_ =	strace $0x80000047;
	s7 =	smul.u32 $0x4E2, s5;
	s5 =	simm.s32 $0x2780  }
0x9: {  	[tilespmem:s5], [sflag:$0x1] =	stream.linear.gather [hbm4b:s4+s3], $0x2C80, $0x38;
	[tilespmem:$0x5680] =	vst v63  }
0xa: {  	s6 =	sadd.s32 s6, s7;
	s7 =	simm.s32 $0x1  }
0xb: {  	[tilespmem:s3], [sflag:$0x2] =	stream.linear.gather [hbm4b:s6+s3], $0x2710, $0x38;
	[tilespmem:$0x5680] =	vst v63  }
0xc: {  	s8 =	simm.s32 $0x5110;
	s14 =	smul.u32 $0x280, s1;
	_ =	swait.ge [sflag:s7], $0x2C80  }
0xd: {  	s9 =	simm.s32 $0x3;
	p0 =	seq.s32 s1, $0xF;
	[sflag:s7] =	ssyncset.done $0x0  }
0xe: {  	s8 =	simm.s32 @!p0 $0x4E90;
	s10 =	sadd.s32 s14, s2;
	[sflag:s7] =	ssyncadd.s32 $0xFFFFD380  }
0xf: {  	[spmem:s10] =	stream.linear.scatter [tilespmem:s8], [sflag:$0x3], $0x280, $0x38;
	[tilespmem:$0x5680] =	vst v63  }
0x10: {  	_ =	swait.ge [sflag:s9], $0x280  }
0x11: {  	[sflag:s9] =	ssyncset.done $0x0  }
0x12: {  	s11 =	simm.s32 $0x2;
	s15 =	smul.u32 $0x2800, s12;
	[sflag:s9] =	ssyncadd.s32 $0xFFFFFD80  }
0x13: {  	s29 =	ssub.s32 $0x2, s12;
	_ =	swait.ge [sflag:s11], $0x2710  }
0x14: {  	s12 =	simm.s32 $0x2710;
	s14 =	sadd.s32 s14, s15;
	[sflag:s11] =	ssyncset.done $0x0  }
0x15: {  	s30 =	sshrl.u32 s29, $0x1;
	s14 =	sshrl.u32 s14, $0x3;
	[sflag:s11] =	ssyncadd.s32 $0xFFFFD8F0  }
0x16: {  	s13 =	sadd.s32 s14, s13;
	s14 =	ssub.s32 s29, s30;
	[bflag:$0x0] =	sbarrier.arrive $0xFFFF  }
0x17: {  	[spmem:s2] =	stream.indirect.scatter.add.f32 [tilespmem:s5], [sflag:$0x3], $0x1, s3, s12, $0xb8;
	[tilespmem:$0x5680] =	vst v63  }
0x18: {  	s16 =	smax.u32 s14, $0x1;
	_ =	swait.ge [sflag:s9], $0x2710  }
0x19: {  	s31 =	sshll.u32 s1, $0x6;
	p0 =	sne.s32 s16, $0x1;
	[sflag:s9] =	ssyncset.done $0x0  }
.Ltmp0:
0x1a: {  	s15 =	sshrl.u32 s10, $0x3;
	[sflag:s9] =	ssyncadd.s32 $0xFFFFD8F0;
	(pc) =	sbr.rel @!p0 .LBB2_2-.Ltmp0, $4  }
0x1b: {  	s13 =	sadd.s32 $0x2C00, s13;
	s14 =	sor.u32 $0x1C03, s31;
	[bflag:$0x0] =	sbarrier.arrive $0xFFFF  }
0x1c: {  	[hbm:s13], [sflag:s14] =	dma.local [spmem:s15], $0x50  }
0x1d: {  	_ =	swait.ge [sflag:s9], $0x50  }
0x1e: {  	s16 =	sadd.s32 $0xFFFFFFFF, s16;
	[sflag:s9] =	ssyncset.done $0x0  }
.LBB2_1:
0x1f: {  	p0 =	sne.s32 s16, $0x1;
	s16 =	sadd.s32 $0xFFFFFFFF, s16;
	[sflag:s9] =	ssyncadd.s32 $0xFFFFFFB0  }
0x20: {  	[tilespmem:s5], [sflag:$0x1] =	stream.linear.gather [hbm4b:s4+s3], $0x2C80, $0x38;
	[tilespmem:$0x5680] =	vst v63  }
0x21: {  	_ = 	snop  }
0x22: {  	[tilespmem:s3], [sflag:$0x2] =	stream.linear.gather [hbm4b:s6+s3], $0x2710, $0x38;
	[tilespmem:$0x5680] =	vst v63  }
0x23: {  	_ =	swait.ge [sflag:s7], $0x2C80  }
0x24: {  	[sflag:s7] =	ssyncset.done $0x0  }
0x25: {  	[sflag:s7] =	ssyncadd.s32 $0xFFFFD380  }
0x26: {  	[spmem:s10] =	stream.linear.scatter [tilespmem:s8], [sflag:$0x3], $0x280, $0x38;
	[tilespmem:$0x5680] =	vst v63  }
0x27: {  	_ =	swait.ge [sflag:s9], $0x280  }
0x28: {  	[sflag:s9] =	ssyncset.done $0x0  }
0x29: {  	[sflag:s9] =	ssyncadd.s32 $0xFFFFFD80  }
0x2a: {  	_ =	swait.ge [sflag:s11], $0x2710  }
0x2b: {  	[sflag:s11] =	ssyncset.done $0x0  }
0x2c: {  	[sflag:s11] =	ssyncadd.s32 $0xFFFFD8F0  }
0x2d: {  	[bflag:$0x0] =	sbarrier.arrive $0xFFFF  }
0x2e: {  	[spmem:s2] =	stream.indirect.scatter.add.f32 [tilespmem:s5], [sflag:$0x3], $0x1, s3, s12, $0xb8;
	[tilespmem:$0x5680] =	vst v63  }
0x2f: {  	_ =	swait.ge [sflag:s9], $0x2710  }
0x30: {  	[sflag:s9] =	ssyncset.done $0x0  }
.Ltmp1:
0x31: {  	[sflag:s9] =	ssyncadd.s32 $0xFFFFD8F0;
	(pc) =	sbr.rel @p0 .LBB2_1-.Ltmp1, $4  }
0x32: {  	[bflag:$0x0] =	sbarrier.arrive $0xFFFF  }
0x33: {  	[hbm:s13], [sflag:s14] =	dma.local [spmem:s15], $0x50  }
0x34: {  	_ =	swait.ge [sflag:s9], $0x50  }
0x35: {  	[sflag:s9] =	ssyncset.done $0x0  }
.LBB2_2:
0x36: {  	[sflag:s9] =	ssyncadd.s32 $0xFFFFFFB0  }
0x37: {  	_ =	sfence.sel $0x180000  }
0x38: {  	[bflag:$0x0] =	sbarrier.arrive $0xFFFF  }
0x39: {  	p0 =	sne.s32 s1, $0x0;
	_ =	strace $0x90000047  }
0x3a: {  	s0 =	sadd.s32 @!p0 $0x100000, s0;
	[bflag:$0x2] =	sbarrier.arrive $0xFFFF  }
0x3b: {  	[sflag:s0] =	ssyncadd.tile.s32 @!p0 $0x1;
	_ =	shalt  }
.Lfunc_end2:
_tile_overlayer_lowered:
.L_overlay_start_2:
0x3c: {  	(tag) =	ssettag $0x2  }
0x3d: {  	s0 =	rddreg [dreg:$0x0];
	s2 =	stileid.u32  }
0x3e: {  	s1 =	rddreg [dreg:$0x1];
	p0 =	sne.s32 s2, $0x0  }
0x3f: {  	s3 =	rddreg [dreg:$0x2];
	[bflag:$0x3] =	sbarrier.arrive $0xFFFF;
	s2 =	simm.s32 @!p0 $0x1C03  }
0x40: {  	[timem:s3], [sflag:s2] =	dma.local @!p0 [hbm:s0], s1  }
0x41: {  	s0 =	simm.s32 @!p0 $0x3  }
0x42: {  	_ =	swait.ge @!p0 [sflag:s0], s1  }
0x43: {  	s1 =	ssub.s32 @!p0 $0x0, s1;
	[sflag:s0] =	ssyncset.done @!p0 $0x0  }
0x44: {  	[sflag:s0] =	ssyncadd.s32 @!p0 s1  }
0x45: {  	[bflag:$0x3] =	sbarrier.arrive $0xFFFF  }
0x46: {  	_ =	shalt  }

</sc_bundles>
